<compile_context>
chip_gen: v7x
topology: tpu7x:2x2x1
jax: 0.10.2.dev20260603
libtpu: 0.0.44.dev20260713+nightly
codegen_flags: <defaults>
</compile_context>

<pallas_src>
import jax
import jax.numpy as jnp
from jax.experimental import pallas as pl
from jax.experimental.pallas import tpu as pltpu
from jax.experimental.pallas import tpu_sc as plsc

VOCAB = 100000
EMBED = 64
CTX = 3
HIDDEN = 128
BATCH = 1024

V_BLK = 2048
NV = (VOCAB + V_BLK - 1) // V_BLK

GATHER_WINDOW = 128


def _sc_gather(table128, flat_idx):
    n_idx = flat_idx.shape[1]
    mesh = plsc.VectorSubcoreMesh(core_axis_name="core", subcore_axis_name="subcore")

    @pl.kernel(
        out_type=jax.ShapeDtypeStruct((n_idx, 128), table128.dtype),
        mesh=mesh,
    )
    def gather_kernel(tbl_hbm, idx_hbm, out_hbm):
        def body(i_vmem, o_vmem):
            pltpu.sync_copy(tbl_hbm.at[i_vmem.at[0]], o_vmem)

        pltpu.emit_pipeline(
            body,
            grid=(n_idx // GATHER_WINDOW,),
            in_specs=[
                pl.BlockSpec((1, GATHER_WINDOW), index_map=lambda i: (0, i))
            ],
            out_specs=[
                pl.BlockSpec((GATHER_WINDOW, 128), index_map=lambda i: (i, 0))
            ],
            core_axis_name="subcore",
            dimension_semantics=(pltpu.PARALLEL,),
        )(idx_hbm, out_hbm)

    return gather_kernel(table128, flat_idx)


def _pass_a_kernel(embeds_ref, w1_ref, b1_ref, w2_ref, b2_ref,
                   hid_out, lse_out, hid_scr, m_scr, s_scr):
    j = pl.program_id(0)

    @pl.when(j == 0)
    def _init():
        h = jnp.tanh(
            jnp.dot(embeds_ref[...], w1_ref[...],
                    preferred_element_type=jnp.float32)
            + b1_ref[...]
        )
        hb = h.astype(jnp.bfloat16)
        hid_scr[...] = hb
        hid_out[...] = hb
        m_scr[...] = jnp.full((BATCH, 1), -jnp.inf, dtype=jnp.float32)
        s_scr[...] = jnp.zeros((BATCH, 1), dtype=jnp.float32)

    raw = (
        jnp.dot(hid_scr[...], w2_ref[...], preferred_element_type=jnp.float32)
        + b2_ref[...]
    )
    cols = jax.lax.broadcasted_iota(jnp.int32, (1, V_BLK), 1)
    pad_mask = (NV - 1) * V_BLK + cols >= VOCAB
    logits = jnp.where((j == NV - 1) & pad_mask, -jnp.inf, raw)

    m_old = m_scr[...]
    block_max = jnp.max(logits, axis=1, keepdims=True)
    m_new = jnp.maximum(m_old, block_max)
    block_sum = jnp.sum(jnp.exp(logits - m_new), axis=1, keepdims=True)
    s_scr[...] = s_scr[...] * jnp.exp(m_old - m_new) + block_sum
    m_scr[...] = m_new

    @pl.when(j == NV - 1)
    def _finish():
        lse_out[...] = m_scr[...] + jnp.log(s_scr[...])


def _pass_b_kernel(hid_ref, w2_ref, b2_ref, lse_ref, out_ref):
    logits = (
        jnp.dot(hid_ref[...], w2_ref[...], preferred_element_type=jnp.float32)
        + b2_ref[...]
    )
    out_ref[...] = logits - lse_ref[...]


def kernel(context_words, table, W1, b1, W2, b2):
    flat_idx = context_words.reshape(1, BATCH * CTX)
    table128 = jnp.pad(table, ((0, 0), (0, 128 - EMBED)))
    embeds = _sc_gather(table128, flat_idx)
    embeds = embeds.reshape(BATCH, CTX * 128)

    w1_pad = jnp.pad(
        W1.reshape(CTX, EMBED, HIDDEN), ((0, 0), (0, 128 - EMBED), (0, 0))
    ).reshape(CTX * 128, HIDDEN)

    w2_bf16 = W2.astype(jnp.bfloat16)
    b1r = b1.reshape(1, HIDDEN)
    b2r = b2.reshape(1, VOCAB)

    hid_bf16, lse = pl.pallas_call(
        _pass_a_kernel,
        grid=(NV,),
        in_specs=[
            pl.BlockSpec((BATCH, CTX * 128), lambda j: (0, 0)),
            pl.BlockSpec((CTX * 128, HIDDEN), lambda j: (0, 0)),
            pl.BlockSpec((1, HIDDEN), lambda j: (0, 0)),
            pl.BlockSpec((HIDDEN, V_BLK), lambda j: (0, j)),
            pl.BlockSpec((1, V_BLK), lambda j: (0, j)),
        ],
        out_specs=[
            pl.BlockSpec((BATCH, HIDDEN), lambda j: (0, 0)),
            pl.BlockSpec((BATCH, 1), lambda j: (0, 0)),
        ],
        out_shape=[
            jax.ShapeDtypeStruct((BATCH, HIDDEN), jnp.bfloat16),
            jax.ShapeDtypeStruct((BATCH, 1), jnp.float32),
        ],
        scratch_shapes=[
            pltpu.VMEM((BATCH, HIDDEN), jnp.bfloat16),
            pltpu.VMEM((BATCH, 1), jnp.float32),
            pltpu.VMEM((BATCH, 1), jnp.float32),
        ],
    )(embeds, w1_pad, b1r, w2_bf16, b2r)

    out = pl.pallas_call(
        _pass_b_kernel,
        grid=(NV,),
        in_specs=[
            pl.BlockSpec((BATCH, HIDDEN), lambda j: (0, 0)),
            pl.BlockSpec((HIDDEN, V_BLK), lambda j: (0, j)),
            pl.BlockSpec((1, V_BLK), lambda j: (0, j)),
            pl.BlockSpec((BATCH, 1), lambda j: (0, 0)),
        ],
        out_specs=pl.BlockSpec((BATCH, V_BLK), lambda j: (0, j)),
        out_shape=jax.ShapeDtypeStruct((BATCH, VOCAB), jnp.float32),
    )(hid_bf16, w2_bf16, b2r, lse)

    return out

# --- scband reference (transcript-rebuilt; emitter-appended) ---
"""Pipeline reference for scband-neural-probabilistic-language-model-39728447488014 (READ-ONLY COPY).

The authoritative reference and input builder live on the scoring server;
editing this copy changes nothing except your own understanding.
"""

import jax, jax.numpy as jnp
import numpy as np

VOCAB = 100000
EMBED = 64
CTX = 3
HIDDEN = 128
BATCH = 1024


def setup_inputs(seed: int = 0) -> dict:
    key = jax.random.key(seed)
    k1, k2, k3, k4 = jax.random.split(key, 4)
    context_words = jax.random.randint(k1, (BATCH, CTX), 0, VOCAB, dtype=jnp.int64 if jax.config.jax_enable_x64 else jnp.int32).astype(jnp.int32)
    table = jax.random.normal(k2, (VOCAB, EMBED), dtype=jnp.float32)
    W1 = jax.random.normal(k3, (CTX * EMBED, HIDDEN), dtype=jnp.float32) * (1.0 / np.sqrt(CTX * EMBED))
    b1 = jnp.zeros((HIDDEN,), dtype=jnp.float32)
    W2 = jax.random.normal(k4, (HIDDEN, VOCAB), dtype=jnp.float32) * (1.0 / np.sqrt(HIDDEN))
    b2 = jnp.zeros((VOCAB,), dtype=jnp.float32)
    return {"context_words": context_words, "table": table, "W1": W1, "b1": b1, "W2": W2, "b2": b2}


def reference(context_words, table, W1, b1, W2, b2):
    # nn.Embedding lookup -> gather
    embeds = jnp.take(table, context_words, axis=0)            # [B, CTX, EMBED]
    embeds = embeds.reshape(embeds.shape[0], -1)               # [B, CTX*EMBED]
    hidden_output = jnp.tanh(embeds @ W1 + b1)                 # [B, HIDDEN]
    output_scores = hidden_output @ W2 + b2                    # [B, VOCAB]
    probabilities = jax.nn.log_softmax(output_scores, axis=1)  # [B, VOCAB]
    return probabilities

if __name__ == "__main__":
    import jax
    _d = setup_inputs()
    print(jax.jit(kernel)(*tuple(_d.values())))

</pallas_src>

<mosaic_0001>
#map = affine_map<(d0, d1) -> (0, 0)>
module attributes {stable_mosaic.version = 14 : i64} {
  func.func @gather_kernel(%arg0: i32, %arg1: i32, %arg2: memref<100000x128xf32, #tpu.memory_space<hbm>>, %arg3: memref<1x3072xi32, #tpu.memory_space<hbm>>, %arg4: memref<3072x128xf32, #tpu.memory_space<hbm>>) attributes {dimension_semantics = [#tpu.dimension_semantics<core_parallel>, #tpu.dimension_semantics<subcore_parallel>], iteration_bounds = array<i64: 2, 16>, scalar_prefetch = 0 : i64, scratch_operands = 0 : i64, tpu.core_type = #tpu.core_type<sc_vector_subcore>, window_params = [{transform_indices = #map}, {transform_indices = #map}, {transform_indices = #map}]} {
    %lt3A = arith.constant 8 : i32
    %lt3A_0 = arith.cmpi slt, %arg1, %lt3A : i32
    %jit3A = arith.constant 2 : i32
    %jit3A_1 = arith.constant 1 : i32
    %select_n3A = arith.select %lt3A_0, %jit3A, %jit3A_1 : i32
    %lt3A_2 = arith.constant 8 : i32
    %lt3A_3 = arith.cmpi slt, %arg1, %lt3A_2 : i32
    %mul3A = arith.muli %arg1, %select_n3A : i32
    %mul3A_4 = arith.constant 1 : i32
    %mul3A_5 = arith.muli %arg1, %mul3A_4 : i32
    %add3A = arith.constant 8 : i32
    %add3A_6 = arith.addi %mul3A_5, %add3A : i32
    %select_n3A_7 = arith.select %lt3A_3, %mul3A, %add3A_6 : i32
    %mul3A_8 = arith.constant 1 : i32
    %mul3A_9 = arith.muli %mul3A_8, %select_n3A : i32
    "tpu.region"() ({
      %run_scoped3A = memref.alloca() : memref<2x1x128xi32, #tpu.memory_space<vmem>>
      %run_scoped3A_10 = tpu.sem_alloc : memref<2x!tpu.dma_semaphore, #tpu.memory_space<semaphore_mem>>
      %run_scoped3A_11 = memref.alloca() : memref<2x128x128xf32, #tpu.memory_space<vmem>>
      %run_scoped3A_12 = tpu.sem_alloc : memref<2x!tpu.dma_semaphore, #tpu.memory_space<semaphore_mem>>
      %gt3A = arith.constant 0 : i32
      %gt3A_13 = arith.cmpi sgt, %mul3A_9, %gt3A : i32
      %convert_element_type3A = arith.extui %gt3A_13 : i1 to i32
      %cond3A = arith.constant 0 : i32
      %cond3A_14 = arith.cmpi ne, %convert_element_type3A, %cond3A : i32
      scf.if %cond3A_14 {
        %mul3A_15 = arith.constant 1 : i32
        %mul3A_16 = arith.muli %mul3A_15, %select_n3A : i32
        %sub3A = arith.constant 1 : i32
        %sub3A_17 = arith.subi %mul3A_16, %sub3A : i32
        %eq3A = arith.constant 0 : i32
        %eq3A_18 = arith.cmpi eq, %sub3A_17, %eq3A : i32
        %add3A_19 = arith.constant 0 : i32
        %add3A_20 = arith.addi %add3A_19, %select_n3A_7 : i32
        %select_n3A_21 = arith.constant true
        %select_n3A_22 = arith.constant 0 : i32
        %select_n3A_23 = arith.constant -1 : i32
        %select_n3A_24 = arith.select %select_n3A_21, %select_n3A_23, %select_n3A_22 : i32
        %eq3A_25 = arith.constant -1 : i32
        %eq3A_26 = arith.cmpi eq, %select_n3A_24, %eq3A_25 : i32
        %sub3A_27 = arith.constant 1 : i32
        %sub3A_28 = arith.subi %select_n3A, %sub3A_27 : i32
        %select_n3A_29 = arith.select %eq3A_26, %sub3A_28, %select_n3A_24 : i32
        %add3A_30 = arith.addi %select_n3A_29, %select_n3A_7 : i32
        %select_n3A_31 = arith.constant true
        %select_n3A_32 = arith.constant 0 : i32
        %select_n3A_33 = arith.constant 1 : i32
        %select_n3A_34 = arith.select %select_n3A_31, %select_n3A_33, %select_n3A_32 : i32
        %eq3A_35 = arith.cmpi eq, %select_n3A_34, %select_n3A : i32
        %select_n3A_36 = arith.constant 0 : i32
        %select_n3A_37 = arith.select %eq3A_35, %select_n3A_36, %select_n3A_34 : i32
        %add3A_38 = arith.addi %select_n3A_37, %select_n3A_7 : i32
        %add3A_39 = arith.constant 1 : i32
        %add3A_40 = arith.addi %select_n3A_37, %add3A_39 : i32
        %select_n3A_41 = arith.constant true
        %select_n3A_42 = arith.select %select_n3A_41, %add3A_40, %select_n3A_37 : i32
        %eq3A_43 = arith.cmpi eq, %select_n3A_42, %select_n3A : i32
        %select_n3A_44 = arith.constant 0 : i32
        %select_n3A_45 = arith.select %eq3A_43, %select_n3A_44, %select_n3A_42 : i32
        %add3A_46 = arith.addi %select_n3A_45, %select_n3A_7 : i32
        "tpu.trace_start"() <{level = 10 : i32, message = "ep_initialize_0"}> : () -> ()
        %rem3A = arith.constant 0 : i32
        %rem3A_47 = arith.constant 2 : i32
        %rem3A_48 = arith.remui %rem3A, %rem3A_47 : i32
        %mul3A_49 = arith.constant 128 : i32
        %mul3A_50 = arith.muli %mul3A_49, %add3A_20 : i32
        %dma_start3A = arith.constant 0 : i32
        %dma_start3A_51 = arith.constant 0 : i32
        %dma_start3A_52 = tpu.memref_slice %run_scoped3A[%rem3A_48, %dma_start3A, %dma_start3A_51] : memref<2x1x128xi32, #tpu.memory_space<vmem>> -> memref<1x1x128xi32, #tpu.memory_space<vmem>>
        %dma_start3A_53 = tpu.memref_squeeze %dma_start3A_52 : memref<1x1x128xi32, #tpu.memory_space<vmem>> -> memref<1x128xi32, #tpu.memory_space<vmem>>
        %dma_start3A_54 = arith.constant 0 : i32
        %dma_start3A_55 = tpu.memref_slice %arg3[%dma_start3A_54, %mul3A_50] : memref<1x3072xi32, #tpu.memory_space<hbm>> -> memref<1x128xi32, #tpu.memory_space<hbm>>
        %dma_start3A_56 = tpu.memref_slice %run_scoped3A_10[%rem3A_48] : memref<2x!tpu.dma_semaphore, #tpu.memory_space<semaphore_mem>> -> memref<1x!tpu.dma_semaphore, #tpu.memory_space<semaphore_mem>>
        %dma_start3A_57 = tpu.memref_squeeze %dma_start3A_56 : memref<1x!tpu.dma_semaphore, #tpu.memory_space<semaphore_mem>> -> memref<!tpu.dma_semaphore, #tpu.memory_space<semaphore_mem>>
        %dma_start3A_58 = arith.constant 0 : i32
        %dma_start3A_59 = arith.constant 0 : i32
        %dma_start3A_60 = tpu.memref_slice %run_scoped3A[%rem3A_48, %dma_start3A_58, %dma_start3A_59] : memref<2x1x128xi32, #tpu.memory_space<vmem>> -> memref<1x1x128xi32, #tpu.memory_space<vmem>>
        %dma_start3A_61 = tpu.memref_squeeze %dma_start3A_60 : memref<1x1x128xi32, #tpu.memory_space<vmem>> -> memref<1x128xi32, #tpu.memory_space<vmem>>
        %dma_start3A_62 = arith.constant 0 : i32
        %dma_start3A_63 = tpu.memref_slice %arg3[%dma_start3A_62, %mul3A_50] : memref<1x3072xi32, #tpu.memory_space<hbm>> -> memref<1x128xi32, #tpu.memory_space<hbm>>
        tpu.enqueue_dma source(%dma_start3A_63 : memref<1x128xi32, #tpu.memory_space<hbm>>) target(%dma_start3A_61 : memref<1x128xi32, #tpu.memory_space<vmem>>) target_semaphore(%dma_start3A_57 : memref<!tpu.dma_semaphore, #tpu.memory_space<semaphore_mem>>)
        %add3A_64 = arith.constant 0 : i32
        %add3A_65 = arith.constant 1 : i32
        %add3A_66 = arith.addi %add3A_64, %add3A_65 : i32
        %select_n3A_67 = arith.constant true
        %select_n3A_68 = arith.constant 0 : i32
        %select_n3A_69 = arith.select %select_n3A_67, %add3A_66, %select_n3A_68 : i32
        %while3A = arith.constant 0 : i32
        %while3A_70 = arith.constant 0 : i32
        %while3A_71 = arith.constant 0 : i32
        %while3A_72 = arith.constant 0 : i32
        %while3A_73 = arith.constant 0 : i32
        "tpu.trace_stop"() : () -> ()
        %while3A_74 = arith.subi %mul3A_9, %while3A : i32
        %while3A_75 = arith.addi %while3A, %while3A_74 : i32
        %while3A_76 = arith.constant 1 : i32
        %while3A_77 = arith.divsi %while3A_74, %while3A_76 : i32
        %while3A_78 = arith.muli %while3A_77, %while3A_76 : i32
        %while3A_79 = arith.addi %while3A, %while3A_78 : i32
        %while3A_80 = arith.constant 1 : i32
        %while3A_81:5 = scf.for %while3A_135 = %while3A to %while3A_79 step %while3A_80 iter_args(%while3A_136 = %select_n3A_69, %while3A_137 = %while3A_70, %while3A_138 = %while3A_71, %while3A_139 = %while3A_72, %while3A_140 = %while3A_73) -> (i32, i32, i32, i32, i32)  : i32 {
          %mul3A_141 = arith.constant 1 : i32
          %mul3A_142 = arith.muli %mul3A_141, %select_n3A : i32
          %eq3A_143 = arith.constant 0 : i32
          %eq3A_144 = arith.cmpi eq, %while3A_135, %eq3A_143 : i32
          %sub3A_145 = arith.constant 1 : i32
          %sub3A_146 = arith.subi %mul3A_142, %sub3A_145 : i32
          %eq3A_147 = arith.cmpi eq, %while3A_135, %sub3A_146 : i32
          %add3A_148 = arith.addi %while3A_140, %select_n3A_7 : i32
          %sub3A_149 = arith.constant 1 : i32
          %sub3A_150 = arith.subi %while3A_140, %sub3A_149 : i32
          %select_n3A_151 = arith.constant true
          %select_n3A_152 = arith.select %select_n3A_151, %sub3A_150, %while3A_140 : i32
          %eq3A_153 = arith.constant -1 : i32
          %eq3A_154 = arith.cmpi eq, %select_n3A_152, %eq3A_153 : i32
          %sub3A_155 = arith.constant 1 : i32
          %sub3A_156 = arith.subi %select_n3A, %sub3A_155 : i32
          %select_n3A_157 = arith.select %eq3A_154, %sub3A_156, %select_n3A_152 : i32
          %add3A_158 = arith.addi %select_n3A_157, %select_n3A_7 : i32
          %add3A_159 = arith.constant 1 : i32
          %add3A_160 = arith.addi %while3A_140, %add3A_159 : i32
          %select_n3A_161 = arith.constant true
          %select_n3A_162 = arith.select %select_n3A_161, %add3A_160, %while3A_140 : i32
          %eq3A_163 = arith.cmpi eq, %select_n3A_162, %select_n3A : i32
          %select_n3A_164 = arith.constant 0 : i32
          %select_n3A_165 = arith.select %eq3A_163, %select_n3A_164, %select_n3A_162 : i32
          %add3A_166 = arith.addi %select_n3A_165, %select_n3A_7 : i32
          %add3A_167 = arith.constant 1 : i32
          %add3A_168 = arith.addi %select_n3A_165, %add3A_167 : i32
          %select_n3A_169 = arith.constant true
          %select_n3A_170 = arith.select %select_n3A_169, %add3A_168, %select_n3A_165 : i32
          %eq3A_171 = arith.cmpi eq, %select_n3A_170, %select_n3A : i32
          %select_n3A_172 = arith.constant 0 : i32
          %select_n3A_173 = arith.select %eq3A_171, %select_n3A_172, %select_n3A_170 : i32
          %add3A_174 = arith.addi %select_n3A_173, %select_n3A_7 : i32
          %ne3A = arith.cmpi ne, %add3A_148, %add3A_166 : i32
          %or3A = arith.constant false
          %or3A_175 = arith.ori %or3A, %ne3A : i1
          %sub3A_176 = arith.constant 2 : i32
          %sub3A_177 = arith.subi %mul3A_142, %sub3A_176 : i32
          %add3A_178 = arith.constant 1 : i32
          %add3A_179 = arith.addi %sub3A_177, %add3A_178 : i32
          %ge3A = arith.cmpi sge, %while3A_135, %add3A_179 : i32
          %not3A = arith.constant true
          %not3A_180 = arith.xori %ge3A, %not3A : i1
          %and3A = arith.andi %or3A_175, %not3A_180 : i1
          %convert_element_type3A_181 = arith.extui %and3A : i1 to i32
          %cond3A_182 = arith.constant 0 : i32
          %cond3A_183 = arith.cmpi ne, %convert_element_type3A_181, %cond3A_182 : i32
          scf.if %cond3A_183 {
            "tpu.trace_start"() <{level = 10 : i32, message = "ep_copy_in"}> : () -> ()
            %rem3A_287 = arith.constant 2 : i32
            %rem3A_288 = arith.remui %while3A_136, %rem3A_287 : i32
            %mul3A_289 = arith.constant 128 : i32
            %mul3A_290 = arith.muli %mul3A_289, %add3A_166 : i32
            %dma_start3A_291 = arith.constant 0 : i32
            %dma_start3A_292 = arith.constant 0 : i32
            %dma_start3A_293 = tpu.memref_slice %run_scoped3A[%rem3A_288, %dma_start3A_291, %dma_start3A_292] : memref<2x1x128xi32, #tpu.memory_space<vmem>> -> memref<1x1x128xi32, #tpu.memory_space<vmem>>
            %dma_start3A_294 = tpu.memref_squeeze %dma_start3A_293 : memref<1x1x128xi32, #tpu.memory_space<vmem>> -> memref<1x128xi32, #tpu.memory_space<vmem>>
            %dma_start3A_295 = arith.constant 0 : i32
            %dma_start3A_296 = tpu.memref_slice %arg3[%dma_start3A_295, %mul3A_290] : memref<1x3072xi32, #tpu.memory_space<hbm>> -> memref<1x128xi32, #tpu.memory_space<hbm>>
            %dma_start3A_297 = tpu.memref_slice %run_scoped3A_10[%rem3A_288] : memref<2x!tpu.dma_semaphore, #tpu.memory_space<semaphore_mem>> -> memref<1x!tpu.dma_semaphore, #tpu.memory_space<semaphore_mem>>
            %dma_start3A_298 = tpu.memref_squeeze %dma_start3A_297 : memref<1x!tpu.dma_semaphore, #tpu.memory_space<semaphore_mem>> -> memref<!tpu.dma_semaphore, #tpu.memory_space<semaphore_mem>>
            %dma_start3A_299 = arith.constant 0 : i32
            %dma_start3A_300 = arith.constant 0 : i32
            %dma_start3A_301 = tpu.memref_slice %run_scoped3A[%rem3A_288, %dma_start3A_299, %dma_start3A_300] : memref<2x1x128xi32, #tpu.memory_space<vmem>> -> memref<1x1x128xi32, #tpu.memory_space<vmem>>
            %dma_start3A_302 = tpu.memref_squeeze %dma_start3A_301 : memref<1x1x128xi32, #tpu.memory_space<vmem>> -> memref<1x128xi32, #tpu.memory_space<vmem>>
            %dma_start3A_303 = arith.constant 0 : i32
            %dma_start3A_304 = tpu.memref_slice %arg3[%dma_start3A_303, %mul3A_290] : memref<1x3072xi32, #tpu.memory_space<hbm>> -> memref<1x128xi32, #tpu.memory_space<hbm>>
            tpu.enqueue_dma source(%dma_start3A_304 : memref<1x128xi32, #tpu.memory_space<hbm>>) target(%dma_start3A_302 : memref<1x128xi32, #tpu.memory_space<vmem>>) target_semaphore(%dma_start3A_298 : memref<!tpu.dma_semaphore, #tpu.memory_space<semaphore_mem>>)
            "tpu.trace_stop"() : () -> ()
          } else {
          }
          %and3A_184 = arith.constant true
          %and3A_185 = arith.andi %and3A, %and3A_184 : i1
          %add3A_186 = arith.constant 1 : i32
          %add3A_187 = arith.addi %while3A_136, %add3A_186 : i32
          %select_n3A_188 = arith.select %and3A_185, %add3A_187, %while3A_136 : i32
          %ne3A_189 = arith.cmpi ne, %add3A_148, %add3A_166 : i32
          %or3A_190 = arith.constant false
          %or3A_191 = arith.ori %or3A_190, %ne3A_189 : i1
          %or3A_192 = arith.constant false
          %or3A_193 = arith.ori %or3A_191, %or3A_192 : i1
          %sub3A_194 = arith.constant 2 : i32
          %sub3A_195 = arith.subi %mul3A_142, %sub3A_194 : i32
          %add3A_196 = arith.constant 1 : i32
          %add3A_197 = arith.addi %sub3A_195, %add3A_196 : i32
          %ge3A_198 = arith.cmpi sge, %while3A_135, %add3A_197 : i32
          %not3A_199 = arith.constant true
          %not3A_200 = arith.xori %ge3A_198, %not3A_199 : i1
          %and3A_201 = arith.andi %or3A_193, %not3A_200 : i1
          %ne3A_202 = arith.cmpi ne, %add3A_148, %add3A_158 : i32
          %or3A_203 = arith.constant false
          %or3A_204 = arith.ori %or3A_203, %ne3A_202 : i1
          %or3A_205 = arith.ori %or3A_204, %eq3A_144 : i1
          %convert_element_type3A_206 = arith.extui %or3A_205 : i1 to i32
          %cond3A_207 = arith.constant 0 : i32
          %cond3A_208 = arith.cmpi ne, %convert_element_type3A_206, %cond3A_207 : i32
          scf.if %cond3A_208 {
            "tpu.trace_start"() <{level = 10 : i32, message = "ep_wait_in"}> : () -> ()
            %mul3A_287 = arith.constant 128 : i32
            %mul3A_288 = arith.muli %mul3A_287, %add3A_148 : i32
            %rem3A_289 = arith.constant 2 : i32
            %rem3A_290 = arith.remui %while3A_137, %rem3A_289 : i32
            %dma_wait3A = arith.constant 0 : i32
            %dma_wait3A_291 = arith.constant 0 : i32
            %dma_wait3A_292 = tpu.memref_slice %run_scoped3A[%rem3A_290, %dma_wait3A, %dma_wait3A_291] : memref<2x1x128xi32, #tpu.memory_space<vmem>> -> memref<1x1x128xi32, #tpu.memory_space<vmem>>
            %dma_wait3A_293 = tpu.memref_squeeze %dma_wait3A_292 : memref<1x1x128xi32, #tpu.memory_space<vmem>> -> memref<1x128xi32, #tpu.memory_space<vmem>>
            %dma_wait3A_294 = arith.constant 0 : i32
            %dma_wait3A_295 = tpu.memref_slice %arg3[%dma_wait3A_294, %mul3A_288] : memref<1x3072xi32, #tpu.memory_space<hbm>> -> memref<1x128xi32, #tpu.memory_space<hbm>>
            %dma_wait3A_296 = tpu.memref_slice %run_scoped3A_10[%rem3A_290] : memref<2x!tpu.dma_semaphore, #tpu.memory_space<semaphore_mem>> -> memref<1x!tpu.dma_semaphore, #tpu.memory_space<semaphore_mem>>
            %dma_wait3A_297 = tpu.memref_squeeze %dma_wait3A_296 : memref<1x!tpu.dma_semaphore, #tpu.memory_space<semaphore_mem>> -> memref<!tpu.dma_semaphore, #tpu.memory_space<semaphore_mem>>
            %dma_wait3A_298 = arith.constant 0 : i32
            %dma_wait3A_299 = arith.constant 0 : i32
            %dma_wait3A_300 = tpu.memref_slice %run_scoped3A[%rem3A_290, %dma_wait3A_298, %dma_wait3A_299] : memref<2x1x128xi32, #tpu.memory_space<vmem>> -> memref<1x1x128xi32, #tpu.memory_space<vmem>>
            %dma_wait3A_301 = tpu.memref_squeeze %dma_wait3A_300 : memref<1x1x128xi32, #tpu.memory_space<vmem>> -> memref<1x128xi32, #tpu.memory_space<vmem>>
            %dma_wait3A_302 = arith.constant 0 : i32
            %dma_wait3A_303 = tpu.memref_slice %arg3[%dma_wait3A_302, %mul3A_288] : memref<1x3072xi32, #tpu.memory_space<hbm>> -> memref<1x128xi32, #tpu.memory_space<hbm>>
            tpu.wait_dma2 semaphore(%dma_wait3A_297 : memref<!tpu.dma_semaphore, #tpu.memory_space<semaphore_mem>>) src(%dma_wait3A_303 : memref<1x128xi32, #tpu.memory_space<hbm>>) dst(%dma_wait3A_301 : memref<1x128xi32, #tpu.memory_space<vmem>>)
            "tpu.trace_stop"() : () -> ()
          } else {
          }
          %ne3A_209 = arith.cmpi ne, %add3A_148, %add3A_158 : i32
          %or3A_210 = arith.constant false
          %or3A_211 = arith.ori %or3A_210, %ne3A_209 : i1
          %or3A_212 = arith.constant false
          %or3A_213 = arith.ori %or3A_211, %or3A_212 : i1
          %or3A_214 = arith.ori %or3A_213, %eq3A_144 : i1
          %convert_element_type3A_215 = arith.extui %or3A_214 : i1 to i32
          %cond3A_216 = arith.constant 0 : i32
          %cond3A_217 = arith.cmpi ne, %convert_element_type3A_215, %cond3A_216 : i32
          scf.if %cond3A_217 {
          } else {
          }
          %rem3A_218 = arith.constant 2 : i32
          %rem3A_219 = arith.remui %while3A_137, %rem3A_218 : i32
          %rem3A_220 = arith.constant 2 : i32
          %rem3A_221 = arith.remui %while3A_138, %rem3A_220 : i32
          %run_scoped3A_222 = arith.constant 0 : i32
          "tpu.trace_start"() <{level = 10 : i32, message = "ep_run_kernel"}> : () -> ()
          "tpu.region"() ({
            %run_scoped3A_287 = tpu.sem_alloc : memref<!tpu.dma_semaphore, #tpu.memory_space<semaphore_mem>>
            %dma_start3A_288 = arith.constant 0 : i32
            %dma_start3A_289 = arith.constant 0 : i32
            %dma_start3A_290 = tpu.memref_slice %run_scoped3A_11[%rem3A_221, %dma_start3A_288, %dma_start3A_289] : memref<2x128x128xf32, #tpu.memory_space<vmem>> -> memref<1x128x128xf32, #tpu.memory_space<vmem>>
            %dma_start3A_291 = tpu.memref_squeeze %dma_start3A_290 : memref<1x128x128xf32, #tpu.memory_space<vmem>> -> memref<128x128xf32, #tpu.memory_space<vmem>>
            %dma_start3A_292 = arith.constant 0 : i32
            %dma_start3A_293 = arith.constant 0 : i32
            %dma_start3A_294 = tpu.memref_slice %run_scoped3A[%rem3A_219, %dma_start3A_292, %dma_start3A_293] : memref<2x1x128xi32, #tpu.memory_space<vmem>> -> memref<1x1x128xi32, #tpu.memory_space<vmem>>
            %dma_start3A_295 = tpu.memref_squeeze %dma_start3A_294 : memref<1x1x128xi32, #tpu.memory_space<vmem>> -> memref<1x128xi32, #tpu.memory_space<vmem>>
            %dma_start3A_296 = arith.constant 0 : i32
            %dma_start3A_297 = tpu.memref_slice %dma_start3A_295[%run_scoped3A_222, %dma_start3A_296] : memref<1x128xi32, #tpu.memory_space<vmem>> -> memref<1x128xi32, #tpu.memory_space<vmem>>
            %dma_start3A_298 = tpu.memref_squeeze %dma_start3A_297 : memref<1x128xi32, #tpu.memory_space<vmem>> -> memref<128xi32, #tpu.memory_space<vmem>>
            %dma_start3A_299 = arith.constant 0 : i32
            %dma_start3A_300 = arith.constant 0 : i32
            %dma_start3A_301 = tpu.memref_slice %arg2[%dma_start3A_299, %dma_start3A_300] : memref<100000x128xf32, #tpu.memory_space<hbm>> -> memref<100000x128xf32, #tpu.memory_space<hbm>>
            tpu.enqueue_indirect_dma source(%dma_start3A_301 : memref<100000x128xf32, #tpu.memory_space<hbm>>) target(%dma_start3A_291 : memref<128x128xf32, #tpu.memory_space<vmem>>) offsets(%dma_start3A_298 : memref<128xi32, #tpu.memory_space<vmem>>) semaphore(%run_scoped3A_287 : memref<!tpu.dma_semaphore, #tpu.memory_space<semaphore_mem>>)
            %dma_wait3A = arith.constant 0 : i32
            %dma_wait3A_302 = arith.constant 0 : i32
            %dma_wait3A_303 = tpu.memref_slice %run_scoped3A_11[%rem3A_221, %dma_wait3A, %dma_wait3A_302] : memref<2x128x128xf32, #tpu.memory_space<vmem>> -> memref<1x128x128xf32, #tpu.memory_space<vmem>>
            %dma_wait3A_304 = tpu.memref_squeeze %dma_wait3A_303 : memref<1x128x128xf32, #tpu.memory_space<vmem>> -> memref<128x128xf32, #tpu.memory_space<vmem>>
            %dma_wait3A_305 = arith.constant 0 : i32
            %dma_wait3A_306 = arith.constant 0 : i32
            %dma_wait3A_307 = tpu.memref_slice %run_scoped3A[%rem3A_219, %dma_wait3A_305, %dma_wait3A_306] : memref<2x1x128xi32, #tpu.memory_space<vmem>> -> memref<1x1x128xi32, #tpu.memory_space<vmem>>
            %dma_wait3A_308 = tpu.memref_squeeze %dma_wait3A_307 : memref<1x1x128xi32, #tpu.memory_space<vmem>> -> memref<1x128xi32, #tpu.memory_space<vmem>>
            %dma_wait3A_309 = arith.constant 0 : i32
            %dma_wait3A_310 = tpu.memref_slice %dma_wait3A_308[%run_scoped3A_222, %dma_wait3A_309] : memref<1x128xi32, #tpu.memory_space<vmem>> -> memref<1x128xi32, #tpu.memory_space<vmem>>
            %dma_wait3A_311 = tpu.memref_squeeze %dma_wait3A_310 : memref<1x128xi32, #tpu.memory_space<vmem>> -> memref<128xi32, #tpu.memory_space<vmem>>
            %dma_wait3A_312 = arith.constant 0 : i32
            %dma_wait3A_313 = arith.constant 0 : i32
            %dma_wait3A_314 = tpu.memref_slice %arg2[%dma_wait3A_312, %dma_wait3A_313] : memref<100000x128xf32, #tpu.memory_space<hbm>> -> memref<100000x128xf32, #tpu.memory_space<hbm>>
            tpu.wait_indirect_dma semaphore(%run_scoped3A_287 : memref<!tpu.dma_semaphore, #tpu.memory_space<semaphore_mem>>) src(%dma_wait3A_314 : memref<100000x128xf32, #tpu.memory_space<hbm>>) dst(%dma_wait3A_304 : memref<128x128xf32, #tpu.memory_space<vmem>>)
            tpu.yield
          }) : () -> ()
          "tpu.trace_stop"() : () -> ()
          %ne3A_223 = arith.cmpi ne, %add3A_148, %add3A_166 : i32
          %or3A_224 = arith.constant false
          %or3A_225 = arith.ori %or3A_224, %ne3A_223 : i1
          %or3A_226 = arith.ori %or3A_225, %eq3A_147 : i1
          %convert_element_type3A_227 = arith.extui %or3A_226 : i1 to i32
          %cond3A_228 = arith.constant 0 : i32
          %cond3A_229 = arith.cmpi ne, %convert_element_type3A_227, %cond3A_228 : i32
          scf.if %cond3A_229 {
          } else {
          }
          %and3A_230 = arith.constant false
          %and3A_231 = arith.andi %or3A_226, %and3A_230 : i1
          %ne3A_232 = arith.cmpi ne, %add3A_148, %add3A_166 : i32
          %or3A_233 = arith.constant false
          %or3A_234 = arith.ori %or3A_233, %ne3A_232 : i1
          %or3A_235 = arith.constant false
          %or3A_236 = arith.ori %or3A_234, %or3A_235 : i1
          %or3A_237 = arith.ori %or3A_236, %eq3A_147 : i1
          %convert_element_type3A_238 = arith.extui %or3A_237 : i1 to i32
          %cond3A_239 = arith.constant 0 : i32
          %cond3A_240 = arith.cmpi ne, %convert_element_type3A_238, %cond3A_239 : i32
          scf.if %cond3A_240 {
            "tpu.trace_start"() <{level = 10 : i32, message = "ep_copy_out"}> : () -> ()
            %rem3A_287 = arith.constant 2 : i32
            %rem3A_288 = arith.remui %while3A_138, %rem3A_287 : i32
            %mul3A_289 = arith.constant 128 : i32
            %mul3A_290 = arith.muli %mul3A_289, %add3A_148 : i32
            %dma_start3A_291 = arith.constant 0 : i32
            %dma_start3A_292 = arith.constant 0 : i32
            %dma_start3A_293 = tpu.memref_slice %run_scoped3A_11[%rem3A_288, %dma_start3A_291, %dma_start3A_292] : memref<2x128x128xf32, #tpu.memory_space<vmem>> -> memref<1x128x128xf32, #tpu.memory_space<vmem>>
            %dma_start3A_294 = tpu.memref_squeeze %dma_start3A_293 : memref<1x128x128xf32, #tpu.memory_space<vmem>> -> memref<128x128xf32, #tpu.memory_space<vmem>>
            %dma_start3A_295 = arith.constant 0 : i32
            %dma_start3A_296 = tpu.memref_slice %arg4[%mul3A_290, %dma_start3A_295] : memref<3072x128xf32, #tpu.memory_space<hbm>> -> memref<128x128xf32, #tpu.memory_space<hbm>>
            %dma_start3A_297 = tpu.memref_slice %run_scoped3A_12[%rem3A_288] : memref<2x!tpu.dma_semaphore, #tpu.memory_space<semaphore_mem>> -> memref<1x!tpu.dma_semaphore, #tpu.memory_space<semaphore_mem>>
            %dma_start3A_298 = tpu.memref_squeeze %dma_start3A_297 : memref<1x!tpu.dma_semaphore, #tpu.memory_space<semaphore_mem>> -> memref<!tpu.dma_semaphore, #tpu.memory_space<semaphore_mem>>
            %dma_start3A_299 = arith.constant 0 : i32
            %dma_start3A_300 = tpu.memref_slice %arg4[%mul3A_290, %dma_start3A_299] : memref<3072x128xf32, #tpu.memory_space<hbm>> -> memref<128x128xf32, #tpu.memory_space<hbm>>
            %dma_start3A_301 = arith.constant 0 : i32
            %dma_start3A_302 = arith.constant 0 : i32
            %dma_start3A_303 = tpu.memref_slice %run_scoped3A_11[%rem3A_288, %dma_start3A_301, %dma_start3A_302] : memref<2x128x128xf32, #tpu.memory_space<vmem>> -> memref<1x128x128xf32, #tpu.memory_space<vmem>>
            %dma_start3A_304 = tpu.memref_squeeze %dma_start3A_303 : memref<1x128x128xf32, #tpu.memory_space<vmem>> -> memref<128x128xf32, #tpu.memory_space<vmem>>
            tpu.enqueue_dma source(%dma_start3A_304 : memref<128x128xf32, #tpu.memory_space<vmem>>) target(%dma_start3A_300 : memref<128x128xf32, #tpu.memory_space<hbm>>) target_semaphore(%dma_start3A_298 : memref<!tpu.dma_semaphore, #tpu.memory_space<semaphore_mem>>)
            "tpu.trace_stop"() : () -> ()
          } else {
          }
          %and3A_241 = arith.constant true
          %and3A_242 = arith.andi %or3A_237, %and3A_241 : i1
          %add3A_243 = arith.constant 1 : i32
          %add3A_244 = arith.addi %while3A_138, %add3A_243 : i32
          %select_n3A_245 = arith.select %and3A_242, %add3A_244, %while3A_138 : i32
          %ne3A_246 = arith.cmpi ne, %add3A_148, %add3A_158 : i32
          %or3A_247 = arith.constant false
          %or3A_248 = arith.ori %or3A_247, %ne3A_246 : i1
          %not3A_249 = arith.constant true
          %not3A_250 = arith.xori %eq3A_144, %not3A_249 : i1
          %and3A_251 = arith.andi %or3A_248, %not3A_250 : i1
          %convert_element_type3A_252 = arith.extui %and3A_251 : i1 to i32
          %cond3A_253 = arith.constant 0 : i32
          %cond3A_254 = arith.cmpi ne, %convert_element_type3A_252, %cond3A_253 : i32
          scf.if %cond3A_254 {
          } else {
          }
          %and3A_255 = arith.constant false
          %and3A_256 = arith.andi %and3A_251, %and3A_255 : i1
          %ne3A_257 = arith.cmpi ne, %add3A_148, %add3A_158 : i32
          %or3A_258 = arith.constant false
          %or3A_259 = arith.ori %or3A_258, %ne3A_257 : i1
          %or3A_260 = arith.constant false
          %or3A_261 = arith.ori %or3A_259, %or3A_260 : i1
          %not3A_262 = arith.constant true
          %not3A_263 = arith.xori %eq3A_144, %not3A_262 : i1
          %and3A_264 = arith.andi %or3A_261, %not3A_263 : i1
          %convert_element_type3A_265 = arith.extui %and3A_264 : i1 to i32
          %cond3A_266 = arith.constant 0 : i32
          %cond3A_267 = arith.cmpi ne, %convert_element_type3A_265, %cond3A_266 : i32
          scf.if %cond3A_267 {
            "tpu.trace_start"() <{level = 10 : i32, message = "ep_wait_out"}> : () -> ()
            %rem3A_287 = arith.constant 2 : i32
            %rem3A_288 = arith.remui %while3A_139, %rem3A_287 : i32
            %mul3A_289 = arith.constant 128 : i32
            %mul3A_290 = arith.muli %mul3A_289, %add3A_158 : i32
            %dma_wait3A = arith.constant 0 : i32
            %dma_wait3A_291 = arith.constant 0 : i32
            %dma_wait3A_292 = tpu.memref_slice %run_scoped3A_11[%rem3A_288, %dma_wait3A, %dma_wait3A_291] : memref<2x128x128xf32, #tpu.memory_space<vmem>> -> memref<1x128x128xf32, #tpu.memory_space<vmem>>
            %dma_wait3A_293 = tpu.memref_squeeze %dma_wait3A_292 : memref<1x128x128xf32, #tpu.memory_space<vmem>> -> memref<128x128xf32, #tpu.memory_space<vmem>>
            %dma_wait3A_294 = arith.constant 0 : i32
            %dma_wait3A_295 = tpu.memref_slice %arg4[%mul3A_290, %dma_wait3A_294] : memref<3072x128xf32, #tpu.memory_space<hbm>> -> memref<128x128xf32, #tpu.memory_space<hbm>>
            %dma_wait3A_296 = tpu.memref_slice %run_scoped3A_12[%rem3A_288] : memref<2x!tpu.dma_semaphore, #tpu.memory_space<semaphore_mem>> -> memref<1x!tpu.dma_semaphore, #tpu.memory_space<semaphore_mem>>
            %dma_wait3A_297 = tpu.memref_squeeze %dma_wait3A_296 : memref<1x!tpu.dma_semaphore, #tpu.memory_space<semaphore_mem>> -> memref<!tpu.dma_semaphore, #tpu.memory_space<semaphore_mem>>
            %dma_wait3A_298 = arith.constant 0 : i32
            %dma_wait3A_299 = tpu.memref_slice %arg4[%mul3A_290, %dma_wait3A_298] : memref<3072x128xf32, #tpu.memory_space<hbm>> -> memref<128x128xf32, #tpu.memory_space<hbm>>
            %dma_wait3A_300 = arith.constant 0 : i32
            %dma_wait3A_301 = arith.constant 0 : i32
            %dma_wait3A_302 = tpu.memref_slice %run_scoped3A_11[%rem3A_288, %dma_wait3A_300, %dma_wait3A_301] : memref<2x128x128xf32, #tpu.memory_space<vmem>> -> memref<1x128x128xf32, #tpu.memory_space<vmem>>
            %dma_wait3A_303 = tpu.memref_squeeze %dma_wait3A_302 : memref<1x128x128xf32, #tpu.memory_space<vmem>> -> memref<128x128xf32, #tpu.memory_space<vmem>>
            tpu.wait_dma2 semaphore(%dma_wait3A_297 : memref<!tpu.dma_semaphore, #tpu.memory_space<semaphore_mem>>) src(%dma_wait3A_303 : memref<128x128xf32, #tpu.memory_space<vmem>>) dst(%dma_wait3A_299 : memref<128x128xf32, #tpu.memory_space<hbm>>)
            "tpu.trace_stop"() : () -> ()
          } else {
          }
          %and3A_268 = arith.constant true
          %and3A_269 = arith.andi %and3A_264, %and3A_268 : i1
          %add3A_270 = arith.constant 1 : i32
          %add3A_271 = arith.addi %while3A_139, %add3A_270 : i32
          %select_n3A_272 = arith.select %and3A_269, %add3A_271, %while3A_139 : i32
          %ne3A_273 = arith.cmpi ne, %add3A_148, %add3A_166 : i32
          %or3A_274 = arith.constant false
          %or3A_275 = arith.ori %or3A_274, %ne3A_273 : i1
          %or3A_276 = arith.ori %or3A_275, %eq3A_147 : i1
          %add3A_277 = arith.constant 1 : i32
          %add3A_278 = arith.addi %while3A_137, %add3A_277 : i32
          %select_n3A_279 = arith.select %or3A_276, %add3A_278, %while3A_137 : i32
          %add3A_280 = arith.constant 1 : i32
          %add3A_281 = arith.addi %while3A_140, %add3A_280 : i32
          %select_n3A_282 = arith.constant true
          %select_n3A_283 = arith.select %select_n3A_282, %add3A_281, %while3A_140 : i32
          %eq3A_284 = arith.cmpi eq, %select_n3A_283, %select_n3A : i32
          %select_n3A_285 = arith.constant 0 : i32
          %select_n3A_286 = arith.select %eq3A_284, %select_n3A_285, %select_n3A_283 : i32
          scf.yield %select_n3A_188, %select_n3A_279, %select_n3A_245, %select_n3A_272, %select_n3A_286 : i32, i32, i32, i32, i32
        }
        %while3A_82 = arith.constant 1 : i32
        %while3A_83:5 = scf.for %while3A_135 = %while3A_79 to %while3A_75 step %while3A_82 iter_args(%while3A_136 = %while3A_81#0, %while3A_137 = %while3A_81#1, %while3A_138 = %while3A_81#2, %while3A_139 = %while3A_81#3, %while3A_140 = %while3A_81#4) -> (i32, i32, i32, i32, i32)  : i32 {
          %mul3A_141 = arith.constant 1 : i32
          %mul3A_142 = arith.muli %mul3A_141, %select_n3A : i32
          %eq3A_143 = arith.constant 0 : i32
          %eq3A_144 = arith.cmpi eq, %while3A_135, %eq3A_143 : i32
          %sub3A_145 = arith.constant 1 : i32
          %sub3A_146 = arith.subi %mul3A_142, %sub3A_145 : i32
          %eq3A_147 = arith.cmpi eq, %while3A_135, %sub3A_146 : i32
          %add3A_148 = arith.addi %while3A_140, %select_n3A_7 : i32
          %sub3A_149 = arith.constant 1 : i32
          %sub3A_150 = arith.subi %while3A_140, %sub3A_149 : i32
          %select_n3A_151 = arith.constant true
          %select_n3A_152 = arith.select %select_n3A_151, %sub3A_150, %while3A_140 : i32
          %eq3A_153 = arith.constant -1 : i32
          %eq3A_154 = arith.cmpi eq, %select_n3A_152, %eq3A_153 : i32
          %sub3A_155 = arith.constant 1 : i32
          %sub3A_156 = arith.subi %select_n3A, %sub3A_155 : i32
          %select_n3A_157 = arith.select %eq3A_154, %sub3A_156, %select_n3A_152 : i32
          %add3A_158 = arith.addi %select_n3A_157, %select_n3A_7 : i32
          %add3A_159 = arith.constant 1 : i32
          %add3A_160 = arith.addi %while3A_140, %add3A_159 : i32
          %select_n3A_161 = arith.constant true
          %select_n3A_162 = arith.select %select_n3A_161, %add3A_160, %while3A_140 : i32
          %eq3A_163 = arith.cmpi eq, %select_n3A_162, %select_n3A : i32
          %select_n3A_164 = arith.constant 0 : i32
          %select_n3A_165 = arith.select %eq3A_163, %select_n3A_164, %select_n3A_162 : i32
          %add3A_166 = arith.addi %select_n3A_165, %select_n3A_7 : i32
          %add3A_167 = arith.constant 1 : i32
          %add3A_168 = arith.addi %select_n3A_165, %add3A_167 : i32
          %select_n3A_169 = arith.constant true
          %select_n3A_170 = arith.select %select_n3A_169, %add3A_168, %select_n3A_165 : i32
          %eq3A_171 = arith.cmpi eq, %select_n3A_170, %select_n3A : i32
          %select_n3A_172 = arith.constant 0 : i32
          %select_n3A_173 = arith.select %eq3A_171, %select_n3A_172, %select_n3A_170 : i32
          %add3A_174 = arith.addi %select_n3A_173, %select_n3A_7 : i32
          %ne3A = arith.cmpi ne, %add3A_148, %add3A_166 : i32
          %or3A = arith.constant false
          %or3A_175 = arith.ori %or3A, %ne3A : i1
          %sub3A_176 = arith.constant 2 : i32
          %sub3A_177 = arith.subi %mul3A_142, %sub3A_176 : i32
          %add3A_178 = arith.constant 1 : i32
          %add3A_179 = arith.addi %sub3A_177, %add3A_178 : i32
          %ge3A = arith.cmpi sge, %while3A_135, %add3A_179 : i32
          %not3A = arith.constant true
          %not3A_180 = arith.xori %ge3A, %not3A : i1
          %and3A = arith.andi %or3A_175, %not3A_180 : i1
          %convert_element_type3A_181 = arith.extui %and3A : i1 to i32
          %cond3A_182 = arith.constant 0 : i32
          %cond3A_183 = arith.cmpi ne, %convert_element_type3A_181, %cond3A_182 : i32
          scf.if %cond3A_183 {
            "tpu.trace_start"() <{level = 10 : i32, message = "ep_copy_in"}> : () -> ()
            %rem3A_287 = arith.constant 2 : i32
            %rem3A_288 = arith.remui %while3A_136, %rem3A_287 : i32
            %mul3A_289 = arith.constant 128 : i32
            %mul3A_290 = arith.muli %mul3A_289, %add3A_166 : i32
            %dma_start3A_291 = arith.constant 0 : i32
            %dma_start3A_292 = arith.constant 0 : i32
            %dma_start3A_293 = tpu.memref_slice %run_scoped3A[%rem3A_288, %dma_start3A_291, %dma_start3A_292] : memref<2x1x128xi32, #tpu.memory_space<vmem>> -> memref<1x1x128xi32, #tpu.memory_space<vmem>>
            %dma_start3A_294 = tpu.memref_squeeze %dma_start3A_293 : memref<1x1x128xi32, #tpu.memory_space<vmem>> -> memref<1x128xi32, #tpu.memory_space<vmem>>
            %dma_start3A_295 = arith.constant 0 : i32
            %dma_start3A_296 = tpu.memref_slice %arg3[%dma_start3A_295, %mul3A_290] : memref<1x3072xi32, #tpu.memory_space<hbm>> -> memref<1x128xi32, #tpu.memory_space<hbm>>
            %dma_start3A_297 = tpu.memref_slice %run_scoped3A_10[%rem3A_288] : memref<2x!tpu.dma_semaphore, #tpu.memory_space<semaphore_mem>> -> memref<1x!tpu.dma_semaphore, #tpu.memory_space<semaphore_mem>>
            %dma_start3A_298 = tpu.memref_squeeze %dma_start3A_297 : memref<1x!tpu.dma_semaphore, #tpu.memory_space<semaphore_mem>> -> memref<!tpu.dma_semaphore, #tpu.memory_space<semaphore_mem>>
            %dma_start3A_299 = arith.constant 0 : i32
            %dma_start3A_300 = arith.constant 0 : i32
            %dma_start3A_301 = tpu.memref_slice %run_scoped3A[%rem3A_288, %dma_start3A_299, %dma_start3A_300] : memref<2x1x128xi32, #tpu.memory_space<vmem>> -> memref<1x1x128xi32, #tpu.memory_space<vmem>>
            %dma_start3A_302 = tpu.memref_squeeze %dma_start3A_301 : memref<1x1x128xi32, #tpu.memory_space<vmem>> -> memref<1x128xi32, #tpu.memory_space<vmem>>
            %dma_start3A_303 = arith.constant 0 : i32
            %dma_start3A_304 = tpu.memref_slice %arg3[%dma_start3A_303, %mul3A_290] : memref<1x3072xi32, #tpu.memory_space<hbm>> -> memref<1x128xi32, #tpu.memory_space<hbm>>
            tpu.enqueue_dma source(%dma_start3A_304 : memref<1x128xi32, #tpu.memory_space<hbm>>) target(%dma_start3A_302 : memref<1x128xi32, #tpu.memory_space<vmem>>) target_semaphore(%dma_start3A_298 : memref<!tpu.dma_semaphore, #tpu.memory_space<semaphore_mem>>)
            "tpu.trace_stop"() : () -> ()
          } else {
          }
          %and3A_184 = arith.constant true
          %and3A_185 = arith.andi %and3A, %and3A_184 : i1
          %add3A_186 = arith.constant 1 : i32
          %add3A_187 = arith.addi %while3A_136, %add3A_186 : i32
          %select_n3A_188 = arith.select %and3A_185, %add3A_187, %while3A_136 : i32
          %ne3A_189 = arith.cmpi ne, %add3A_148, %add3A_166 : i32
          %or3A_190 = arith.constant false
          %or3A_191 = arith.ori %or3A_190, %ne3A_189 : i1
          %or3A_192 = arith.constant false
          %or3A_193 = arith.ori %or3A_191, %or3A_192 : i1
          %sub3A_194 = arith.constant 2 : i32
          %sub3A_195 = arith.subi %mul3A_142, %sub3A_194 : i32
          %add3A_196 = arith.constant 1 : i32
          %add3A_197 = arith.addi %sub3A_195, %add3A_196 : i32
          %ge3A_198 = arith.cmpi sge, %while3A_135, %add3A_197 : i32
          %not3A_199 = arith.constant true
          %not3A_200 = arith.xori %ge3A_198, %not3A_199 : i1
          %and3A_201 = arith.andi %or3A_193, %not3A_200 : i1
          %ne3A_202 = arith.cmpi ne, %add3A_148, %add3A_158 : i32
          %or3A_203 = arith.constant false
          %or3A_204 = arith.ori %or3A_203, %ne3A_202 : i1
          %or3A_205 = arith.ori %or3A_204, %eq3A_144 : i1
          %convert_element_type3A_206 = arith.extui %or3A_205 : i1 to i32
          %cond3A_207 = arith.constant 0 : i32
          %cond3A_208 = arith.cmpi ne, %convert_element_type3A_206, %cond3A_207 : i32
          scf.if %cond3A_208 {
            "tpu.trace_start"() <{level = 10 : i32, message = "ep_wait_in"}> : () -> ()
            %mul3A_287 = arith.constant 128 : i32
            %mul3A_288 = arith.muli %mul3A_287, %add3A_148 : i32
            %rem3A_289 = arith.constant 2 : i32
            %rem3A_290 = arith.remui %while3A_137, %rem3A_289 : i32
            %dma_wait3A = arith.constant 0 : i32
            %dma_wait3A_291 = arith.constant 0 : i32
            %dma_wait3A_292 = tpu.memref_slice %run_scoped3A[%rem3A_290, %dma_wait3A, %dma_wait3A_291] : memref<2x1x128xi32, #tpu.memory_space<vmem>> -> memref<1x1x128xi32, #tpu.memory_space<vmem>>
            %dma_wait3A_293 = tpu.memref_squeeze %dma_wait3A_292 : memref<1x1x128xi32, #tpu.memory_space<vmem>> -> memref<1x128xi32, #tpu.memory_space<vmem>>
            %dma_wait3A_294 = arith.constant 0 : i32
            %dma_wait3A_295 = tpu.memref_slice %arg3[%dma_wait3A_294, %mul3A_288] : memref<1x3072xi32, #tpu.memory_space<hbm>> -> memref<1x128xi32, #tpu.memory_space<hbm>>
            %dma_wait3A_296 = tpu.memref_slice %run_scoped3A_10[%rem3A_290] : memref<2x!tpu.dma_semaphore, #tpu.memory_space<semaphore_mem>> -> memref<1x!tpu.dma_semaphore, #tpu.memory_space<semaphore_mem>>
            %dma_wait3A_297 = tpu.memref_squeeze %dma_wait3A_296 : memref<1x!tpu.dma_semaphore, #tpu.memory_space<semaphore_mem>> -> memref<!tpu.dma_semaphore, #tpu.memory_space<semaphore_mem>>
            %dma_wait3A_298 = arith.constant 0 : i32
            %dma_wait3A_299 = arith.constant 0 : i32
            %dma_wait3A_300 = tpu.memref_slice %run_scoped3A[%rem3A_290, %dma_wait3A_298, %dma_wait3A_299] : memref<2x1x128xi32, #tpu.memory_space<vmem>> -> memref<1x1x128xi32, #tpu.memory_space<vmem>>
            %dma_wait3A_301 = tpu.memref_squeeze %dma_wait3A_300 : memref<1x1x128xi32, #tpu.memory_space<vmem>> -> memref<1x128xi32, #tpu.memory_space<vmem>>
            %dma_wait3A_302 = arith.constant 0 : i32
            %dma_wait3A_303 = tpu.memref_slice %arg3[%dma_wait3A_302, %mul3A_288] : memref<1x3072xi32, #tpu.memory_space<hbm>> -> memref<1x128xi32, #tpu.memory_space<hbm>>
            tpu.wait_dma2 semaphore(%dma_wait3A_297 : memref<!tpu.dma_semaphore, #tpu.memory_space<semaphore_mem>>) src(%dma_wait3A_303 : memref<1x128xi32, #tpu.memory_space<hbm>>) dst(%dma_wait3A_301 : memref<1x128xi32, #tpu.memory_space<vmem>>)
            "tpu.trace_stop"() : () -> ()
          } else {
          }
          %ne3A_209 = arith.cmpi ne, %add3A_148, %add3A_158 : i32
          %or3A_210 = arith.constant false
          %or3A_211 = arith.ori %or3A_210, %ne3A_209 : i1
          %or3A_212 = arith.constant false
          %or3A_213 = arith.ori %or3A_211, %or3A_212 : i1
          %or3A_214 = arith.ori %or3A_213, %eq3A_144 : i1
          %convert_element_type3A_215 = arith.extui %or3A_214 : i1 to i32
          %cond3A_216 = arith.constant 0 : i32
          %cond3A_217 = arith.cmpi ne, %convert_element_type3A_215, %cond3A_216 : i32
          scf.if %cond3A_217 {
          } else {
          }
          %rem3A_218 = arith.constant 2 : i32
          %rem3A_219 = arith.remui %while3A_137, %rem3A_218 : i32
          %rem3A_220 = arith.constant 2 : i32
          %rem3A_221 = arith.remui %while3A_138, %rem3A_220 : i32
          %run_scoped3A_222 = arith.constant 0 : i32
          "tpu.trace_start"() <{level = 10 : i32, message = "ep_run_kernel"}> : () -> ()
          "tpu.region"() ({
            %run_scoped3A_287 = tpu.sem_alloc : memref<!tpu.dma_semaphore, #tpu.memory_space<semaphore_mem>>
            %dma_start3A_288 = arith.constant 0 : i32
            %dma_start3A_289 = arith.constant 0 : i32
            %dma_start3A_290 = tpu.memref_slice %run_scoped3A_11[%rem3A_221, %dma_start3A_288, %dma_start3A_289] : memref<2x128x128xf32, #tpu.memory_space<vmem>> -> memref<1x128x128xf32, #tpu.memory_space<vmem>>
            %dma_start3A_291 = tpu.memref_squeeze %dma_start3A_290 : memref<1x128x128xf32, #tpu.memory_space<vmem>> -> memref<128x128xf32, #tpu.memory_space<vmem>>
            %dma_start3A_292 = arith.constant 0 : i32
            %dma_start3A_293 = arith.constant 0 : i32
            %dma_start3A_294 = tpu.memref_slice %run_scoped3A[%rem3A_219, %dma_start3A_292, %dma_start3A_293] : memref<2x1x128xi32, #tpu.memory_space<vmem>> -> memref<1x1x128xi32, #tpu.memory_space<vmem>>
            %dma_start3A_295 = tpu.memref_squeeze %dma_start3A_294 : memref<1x1x128xi32, #tpu.memory_space<vmem>> -> memref<1x128xi32, #tpu.memory_space<vmem>>
            %dma_start3A_296 = arith.constant 0 : i32
            %dma_start3A_297 = tpu.memref_slice %dma_start3A_295[%run_scoped3A_222, %dma_start3A_296] : memref<1x128xi32, #tpu.memory_space<vmem>> -> memref<1x128xi32, #tpu.memory_space<vmem>>
            %dma_start3A_298 = tpu.memref_squeeze %dma_start3A_297 : memref<1x128xi32, #tpu.memory_space<vmem>> -> memref<128xi32, #tpu.memory_space<vmem>>
            %dma_start3A_299 = arith.constant 0 : i32
            %dma_start3A_300 = arith.constant 0 : i32
            %dma_start3A_301 = tpu.memref_slice %arg2[%dma_start3A_299, %dma_start3A_300] : memref<100000x128xf32, #tpu.memory_space<hbm>> -> memref<100000x128xf32, #tpu.memory_space<hbm>>
            tpu.enqueue_indirect_dma source(%dma_start3A_301 : memref<100000x128xf32, #tpu.memory_space<hbm>>) target(%dma_start3A_291 : memref<128x128xf32, #tpu.memory_space<vmem>>) offsets(%dma_start3A_298 : memref<128xi32, #tpu.memory_space<vmem>>) semaphore(%run_scoped3A_287 : memref<!tpu.dma_semaphore, #tpu.memory_space<semaphore_mem>>)
            %dma_wait3A = arith.constant 0 : i32
            %dma_wait3A_302 = arith.constant 0 : i32
            %dma_wait3A_303 = tpu.memref_slice %run_scoped3A_11[%rem3A_221, %dma_wait3A, %dma_wait3A_302] : memref<2x128x128xf32, #tpu.memory_space<vmem>> -> memref<1x128x128xf32, #tpu.memory_space<vmem>>
            %dma_wait3A_304 = tpu.memref_squeeze %dma_wait3A_303 : memref<1x128x128xf32, #tpu.memory_space<vmem>> -> memref<128x128xf32, #tpu.memory_space<vmem>>
            %dma_wait3A_305 = arith.constant 0 : i32
            %dma_wait3A_306 = arith.constant 0 : i32
            %dma_wait3A_307 = tpu.memref_slice %run_scoped3A[%rem3A_219, %dma_wait3A_305, %dma_wait3A_306] : memref<2x1x128xi32, #tpu.memory_space<vmem>> -> memref<1x1x128xi32, #tpu.memory_space<vmem>>
            %dma_wait3A_308 = tpu.memref_squeeze %dma_wait3A_307 : memref<1x1x128xi32, #tpu.memory_space<vmem>> -> memref<1x128xi32, #tpu.memory_space<vmem>>
            %dma_wait3A_309 = arith.constant 0 : i32
            %dma_wait3A_310 = tpu.memref_slice %dma_wait3A_308[%run_scoped3A_222, %dma_wait3A_309] : memref<1x128xi32, #tpu.memory_space<vmem>> -> memref<1x128xi32, #tpu.memory_space<vmem>>
            %dma_wait3A_311 = tpu.memref_squeeze %dma_wait3A_310 : memref<1x128xi32, #tpu.memory_space<vmem>> -> memref<128xi32, #tpu.memory_space<vmem>>
            %dma_wait3A_312 = arith.constant 0 : i32
            %dma_wait3A_313 = arith.constant 0 : i32
            %dma_wait3A_314 = tpu.memref_slice %arg2[%dma_wait3A_312, %dma_wait3A_313] : memref<100000x128xf32, #tpu.memory_space<hbm>> -> memref<100000x128xf32, #tpu.memory_space<hbm>>
            tpu.wait_indirect_dma semaphore(%run_scoped3A_287 : memref<!tpu.dma_semaphore, #tpu.memory_space<semaphore_mem>>) src(%dma_wait3A_314 : memref<100000x128xf32, #tpu.memory_space<hbm>>) dst(%dma_wait3A_304 : memref<128x128xf32, #tpu.memory_space<vmem>>)
            tpu.yield
          }) : () -> ()
          "tpu.trace_stop"() : () -> ()
          %ne3A_223 = arith.cmpi ne, %add3A_148, %add3A_166 : i32
          %or3A_224 = arith.constant false
          %or3A_225 = arith.ori %or3A_224, %ne3A_223 : i1
          %or3A_226 = arith.ori %or3A_225, %eq3A_147 : i1
          %convert_element_type3A_227 = arith.extui %or3A_226 : i1 to i32
          %cond3A_228 = arith.constant 0 : i32
          %cond3A_229 = arith.cmpi ne, %convert_element_type3A_227, %cond3A_228 : i32
          scf.if %cond3A_229 {
          } else {
          }
          %and3A_230 = arith.constant false
          %and3A_231 = arith.andi %or3A_226, %and3A_230 : i1
          %ne3A_232 = arith.cmpi ne, %add3A_148, %add3A_166 : i32
          %or3A_233 = arith.constant false
          %or3A_234 = arith.ori %or3A_233, %ne3A_232 : i1
          %or3A_235 = arith.constant false
          %or3A_236 = arith.ori %or3A_234, %or3A_235 : i1
          %or3A_237 = arith.ori %or3A_236, %eq3A_147 : i1
          %convert_element_type3A_238 = arith.extui %or3A_237 : i1 to i32
          %cond3A_239 = arith.constant 0 : i32
          %cond3A_240 = arith.cmpi ne, %convert_element_type3A_238, %cond3A_239 : i32
          scf.if %cond3A_240 {
            "tpu.trace_start"() <{level = 10 : i32, message = "ep_copy_out"}> : () -> ()
            %rem3A_287 = arith.constant 2 : i32
            %rem3A_288 = arith.remui %while3A_138, %rem3A_287 : i32
            %mul3A_289 = arith.constant 128 : i32
            %mul3A_290 = arith.muli %mul3A_289, %add3A_148 : i32
            %dma_start3A_291 = arith.constant 0 : i32
            %dma_start3A_292 = arith.constant 0 : i32
            %dma_start3A_293 = tpu.memref_slice %run_scoped3A_11[%rem3A_288, %dma_start3A_291, %dma_start3A_292] : memref<2x128x128xf32, #tpu.memory_space<vmem>> -> memref<1x128x128xf32, #tpu.memory_space<vmem>>
            %dma_start3A_294 = tpu.memref_squeeze %dma_start3A_293 : memref<1x128x128xf32, #tpu.memory_space<vmem>> -> memref<128x128xf32, #tpu.memory_space<vmem>>
            %dma_start3A_295 = arith.constant 0 : i32
            %dma_start3A_296 = tpu.memref_slice %arg4[%mul3A_290, %dma_start3A_295] : memref<3072x128xf32, #tpu.memory_space<hbm>> -> memref<128x128xf32, #tpu.memory_space<hbm>>
            %dma_start3A_297 = tpu.memref_slice %run_scoped3A_12[%rem3A_288] : memref<2x!tpu.dma_semaphore, #tpu.memory_space<semaphore_mem>> -> memref<1x!tpu.dma_semaphore, #tpu.memory_space<semaphore_mem>>
            %dma_start3A_298 = tpu.memref_squeeze %dma_start3A_297 : memref<1x!tpu.dma_semaphore, #tpu.memory_space<semaphore_mem>> -> memref<!tpu.dma_semaphore, #tpu.memory_space<semaphore_mem>>
            %dma_start3A_299 = arith.constant 0 : i32
            %dma_start3A_300 = tpu.memref_slice %arg4[%mul3A_290, %dma_start3A_299] : memref<3072x128xf32, #tpu.memory_space<hbm>> -> memref<128x128xf32, #tpu.memory_space<hbm>>
            %dma_start3A_301 = arith.constant 0 : i32
            %dma_start3A_302 = arith.constant 0 : i32
            %dma_start3A_303 = tpu.memref_slice %run_scoped3A_11[%rem3A_288, %dma_start3A_301, %dma_start3A_302] : memref<2x128x128xf32, #tpu.memory_space<vmem>> -> memref<1x128x128xf32, #tpu.memory_space<vmem>>
            %dma_start3A_304 = tpu.memref_squeeze %dma_start3A_303 : memref<1x128x128xf32, #tpu.memory_space<vmem>> -> memref<128x128xf32, #tpu.memory_space<vmem>>
            tpu.enqueue_dma source(%dma_start3A_304 : memref<128x128xf32, #tpu.memory_space<vmem>>) target(%dma_start3A_300 : memref<128x128xf32, #tpu.memory_space<hbm>>) target_semaphore(%dma_start3A_298 : memref<!tpu.dma_semaphore, #tpu.memory_space<semaphore_mem>>)
            "tpu.trace_stop"() : () -> ()
          } else {
          }
          %and3A_241 = arith.constant true
          %and3A_242 = arith.andi %or3A_237, %and3A_241 : i1
          %add3A_243 = arith.constant 1 : i32
          %add3A_244 = arith.addi %while3A_138, %add3A_243 : i32
          %select_n3A_245 = arith.select %and3A_242, %add3A_244, %while3A_138 : i32
          %ne3A_246 = arith.cmpi ne, %add3A_148, %add3A_158 : i32
          %or3A_247 = arith.constant false
          %or3A_248 = arith.ori %or3A_247, %ne3A_246 : i1
          %not3A_249 = arith.constant true
          %not3A_250 = arith.xori %eq3A_144, %not3A_249 : i1
          %and3A_251 = arith.andi %or3A_248, %not3A_250 : i1
          %convert_element_type3A_252 = arith.extui %and3A_251 : i1 to i32
          %cond3A_253 = arith.constant 0 : i32
          %cond3A_254 = arith.cmpi ne, %convert_element_type3A_252, %cond3A_253 : i32
          scf.if %cond3A_254 {
          } else {
          }
          %and3A_255 = arith.constant false
          %and3A_256 = arith.andi %and3A_251, %and3A_255 : i1
          %ne3A_257 = arith.cmpi ne, %add3A_148, %add3A_158 : i32
          %or3A_258 = arith.constant false
          %or3A_259 = arith.ori %or3A_258, %ne3A_257 : i1
          %or3A_260 = arith.constant false
          %or3A_261 = arith.ori %or3A_259, %or3A_260 : i1
          %not3A_262 = arith.constant true
          %not3A_263 = arith.xori %eq3A_144, %not3A_262 : i1
          %and3A_264 = arith.andi %or3A_261, %not3A_263 : i1
          %convert_element_type3A_265 = arith.extui %and3A_264 : i1 to i32
          %cond3A_266 = arith.constant 0 : i32
          %cond3A_267 = arith.cmpi ne, %convert_element_type3A_265, %cond3A_266 : i32
          scf.if %cond3A_267 {
            "tpu.trace_start"() <{level = 10 : i32, message = "ep_wait_out"}> : () -> ()
            %rem3A_287 = arith.constant 2 : i32
            %rem3A_288 = arith.remui %while3A_139, %rem3A_287 : i32
            %mul3A_289 = arith.constant 128 : i32
            %mul3A_290 = arith.muli %mul3A_289, %add3A_158 : i32
            %dma_wait3A = arith.constant 0 : i32
            %dma_wait3A_291 = arith.constant 0 : i32
            %dma_wait3A_292 = tpu.memref_slice %run_scoped3A_11[%rem3A_288, %dma_wait3A, %dma_wait3A_291] : memref<2x128x128xf32, #tpu.memory_space<vmem>> -> memref<1x128x128xf32, #tpu.memory_space<vmem>>
            %dma_wait3A_293 = tpu.memref_squeeze %dma_wait3A_292 : memref<1x128x128xf32, #tpu.memory_space<vmem>> -> memref<128x128xf32, #tpu.memory_space<vmem>>
            %dma_wait3A_294 = arith.constant 0 : i32
            %dma_wait3A_295 = tpu.memref_slice %arg4[%mul3A_290, %dma_wait3A_294] : memref<3072x128xf32, #tpu.memory_space<hbm>> -> memref<128x128xf32, #tpu.memory_space<hbm>>
            %dma_wait3A_296 = tpu.memref_slice %run_scoped3A_12[%rem3A_288] : memref<2x!tpu.dma_semaphore, #tpu.memory_space<semaphore_mem>> -> memref<1x!tpu.dma_semaphore, #tpu.memory_space<semaphore_mem>>
            %dma_wait3A_297 = tpu.memref_squeeze %dma_wait3A_296 : memref<1x!tpu.dma_semaphore, #tpu.memory_space<semaphore_mem>> -> memref<!tpu.dma_semaphore, #tpu.memory_space<semaphore_mem>>
            %dma_wait3A_298 = arith.constant 0 : i32
            %dma_wait3A_299 = tpu.memref_slice %arg4[%mul3A_290, %dma_wait3A_298] : memref<3072x128xf32, #tpu.memory_space<hbm>> -> memref<128x128xf32, #tpu.memory_space<hbm>>
            %dma_wait3A_300 = arith.constant 0 : i32
            %dma_wait3A_301 = arith.constant 0 : i32
            %dma_wait3A_302 = tpu.memref_slice %run_scoped3A_11[%rem3A_288, %dma_wait3A_300, %dma_wait3A_301] : memref<2x128x128xf32, #tpu.memory_space<vmem>> -> memref<1x128x128xf32, #tpu.memory_space<vmem>>
            %dma_wait3A_303 = tpu.memref_squeeze %dma_wait3A_302 : memref<1x128x128xf32, #tpu.memory_space<vmem>> -> memref<128x128xf32, #tpu.memory_space<vmem>>
            tpu.wait_dma2 semaphore(%dma_wait3A_297 : memref<!tpu.dma_semaphore, #tpu.memory_space<semaphore_mem>>) src(%dma_wait3A_303 : memref<128x128xf32, #tpu.memory_space<vmem>>) dst(%dma_wait3A_299 : memref<128x128xf32, #tpu.memory_space<hbm>>)
            "tpu.trace_stop"() : () -> ()
          } else {
          }
          %and3A_268 = arith.constant true
          %and3A_269 = arith.andi %and3A_264, %and3A_268 : i1
          %add3A_270 = arith.constant 1 : i32
          %add3A_271 = arith.addi %while3A_139, %add3A_270 : i32
          %select_n3A_272 = arith.select %and3A_269, %add3A_271, %while3A_139 : i32
          %ne3A_273 = arith.cmpi ne, %add3A_148, %add3A_166 : i32
          %or3A_274 = arith.constant false
          %or3A_275 = arith.ori %or3A_274, %ne3A_273 : i1
          %or3A_276 = arith.ori %or3A_275, %eq3A_147 : i1
          %add3A_277 = arith.constant 1 : i32
          %add3A_278 = arith.addi %while3A_137, %add3A_277 : i32
          %select_n3A_279 = arith.select %or3A_276, %add3A_278, %while3A_137 : i32
          %add3A_280 = arith.constant 1 : i32
          %add3A_281 = arith.addi %while3A_140, %add3A_280 : i32
          %select_n3A_282 = arith.constant true
          %select_n3A_283 = arith.select %select_n3A_282, %add3A_281, %while3A_140 : i32
          %eq3A_284 = arith.cmpi eq, %select_n3A_283, %select_n3A : i32
          %select_n3A_285 = arith.constant 0 : i32
          %select_n3A_286 = arith.select %eq3A_284, %select_n3A_285, %select_n3A_283 : i32
          scf.yield %select_n3A_188, %select_n3A_279, %select_n3A_245, %select_n3A_272, %select_n3A_286 : i32, i32, i32, i32, i32
        }
        %sub3A_84 = arith.constant 1 : i32
        %sub3A_85 = arith.subi %while3A_83#4, %sub3A_84 : i32
        %select_n3A_86 = arith.constant true
        %select_n3A_87 = arith.select %select_n3A_86, %sub3A_85, %while3A_83#4 : i32
        %eq3A_88 = arith.constant -1 : i32
        %eq3A_89 = arith.cmpi eq, %select_n3A_87, %eq3A_88 : i32
        %sub3A_90 = arith.constant 1 : i32
        %sub3A_91 = arith.subi %select_n3A, %sub3A_90 : i32
        %select_n3A_92 = arith.select %eq3A_89, %sub3A_91, %select_n3A_87 : i32
        %sub3A_93 = arith.constant 1 : i32
        %sub3A_94 = arith.subi %mul3A_9, %sub3A_93 : i32
        %mul3A_95 = arith.constant 1 : i32
        %mul3A_96 = arith.muli %mul3A_95, %select_n3A : i32
        %eq3A_97 = arith.constant 0 : i32
        %eq3A_98 = arith.cmpi eq, %sub3A_94, %eq3A_97 : i32
        %sub3A_99 = arith.constant 1 : i32
        %sub3A_100 = arith.subi %mul3A_96, %sub3A_99 : i32
        %eq3A_101 = arith.cmpi eq, %sub3A_94, %sub3A_100 : i32
        %add3A_102 = arith.addi %select_n3A_92, %select_n3A_7 : i32
        %sub3A_103 = arith.constant 1 : i32
        %sub3A_104 = arith.subi %select_n3A_92, %sub3A_103 : i32
        %select_n3A_105 = arith.constant true
        %select_n3A_106 = arith.select %select_n3A_105, %sub3A_104, %select_n3A_92 : i32
        %eq3A_107 = arith.constant -1 : i32
        %eq3A_108 = arith.cmpi eq, %select_n3A_106, %eq3A_107 : i32
        %sub3A_109 = arith.constant 1 : i32
        %sub3A_110 = arith.subi %select_n3A, %sub3A_109 : i32
        %select_n3A_111 = arith.select %eq3A_108, %sub3A_110, %select_n3A_106 : i32
        %add3A_112 = arith.addi %select_n3A_111, %select_n3A_7 : i32
        %add3A_113 = arith.constant 1 : i32
        %add3A_114 = arith.addi %select_n3A_92, %add3A_113 : i32
        %select_n3A_115 = arith.constant true
        %select_n3A_116 = arith.select %select_n3A_115, %add3A_114, %select_n3A_92 : i32
        %eq3A_117 = arith.cmpi eq, %select_n3A_116, %select_n3A : i32
        %select_n3A_118 = arith.constant 0 : i32
        %select_n3A_119 = arith.select %eq3A_117, %select_n3A_118, %select_n3A_116 : i32
        %add3A_120 = arith.addi %select_n3A_119, %select_n3A_7 : i32
        %add3A_121 = arith.constant 1 : i32
        %add3A_122 = arith.addi %select_n3A_119, %add3A_121 : i32
        %select_n3A_123 = arith.constant true
        %select_n3A_124 = arith.select %select_n3A_123, %add3A_122, %select_n3A_119 : i32
        %eq3A_125 = arith.cmpi eq, %select_n3A_124, %select_n3A : i32
        %select_n3A_126 = arith.constant 0 : i32
        %select_n3A_127 = arith.select %eq3A_125, %select_n3A_126, %select_n3A_124 : i32
        %add3A_128 = arith.addi %select_n3A_127, %select_n3A_7 : i32
        %convert_element_type3A_129 = arith.extui %eq3A_101 : i1 to i32
        %cond3A_130 = arith.constant 0 : i32
        %cond3A_131 = arith.cmpi ne, %convert_element_type3A_129, %cond3A_130 : i32
        scf.if %cond3A_131 {
        } else {
        }
        %convert_element_type3A_132 = arith.extui %eq3A_101 : i1 to i32
        %cond3A_133 = arith.constant 0 : i32
        %cond3A_134 = arith.cmpi ne, %convert_element_type3A_132, %cond3A_133 : i32
        scf.if %cond3A_134 {
          "tpu.trace_start"() <{level = 10 : i32, message = "ep_finalize"}> : () -> ()
          %rem3A_135 = arith.constant 2 : i32
          %rem3A_136 = arith.remui %while3A_83#3, %rem3A_135 : i32
          %mul3A_137 = arith.constant 128 : i32
          %mul3A_138 = arith.muli %mul3A_137, %add3A_102 : i32
          %dma_wait3A = arith.constant 0 : i32
          %dma_wait3A_139 = arith.constant 0 : i32
          %dma_wait3A_140 = tpu.memref_slice %run_scoped3A_11[%rem3A_136, %dma_wait3A, %dma_wait3A_139] : memref<2x128x128xf32, #tpu.memory_space<vmem>> -> memref<1x128x128xf32, #tpu.memory_space<vmem>>
          %dma_wait3A_141 = tpu.memref_squeeze %dma_wait3A_140 : memref<1x128x128xf32, #tpu.memory_space<vmem>> -> memref<128x128xf32, #tpu.memory_space<vmem>>
          %dma_wait3A_142 = arith.constant 0 : i32
          %dma_wait3A_143 = tpu.memref_slice %arg4[%mul3A_138, %dma_wait3A_142] : memref<3072x128xf32, #tpu.memory_space<hbm>> -> memref<128x128xf32, #tpu.memory_space<hbm>>
          %dma_wait3A_144 = tpu.memref_slice %run_scoped3A_12[%rem3A_136] : memref<2x!tpu.dma_semaphore, #tpu.memory_space<semaphore_mem>> -> memref<1x!tpu.dma_semaphore, #tpu.memory_space<semaphore_mem>>
          %dma_wait3A_145 = tpu.memref_squeeze %dma_wait3A_144 : memref<1x!tpu.dma_semaphore, #tpu.memory_space<semaphore_mem>> -> memref<!tpu.dma_semaphore, #tpu.memory_space<semaphore_mem>>
          %dma_wait3A_146 = arith.constant 0 : i32
          %dma_wait3A_147 = tpu.memref_slice %arg4[%mul3A_138, %dma_wait3A_146] : memref<3072x128xf32, #tpu.memory_space<hbm>> -> memref<128x128xf32, #tpu.memory_space<hbm>>
          %dma_wait3A_148 = arith.constant 0 : i32
          %dma_wait3A_149 = arith.constant 0 : i32
          %dma_wait3A_150 = tpu.memref_slice %run_scoped3A_11[%rem3A_136, %dma_wait3A_148, %dma_wait3A_149] : memref<2x128x128xf32, #tpu.memory_space<vmem>> -> memref<1x128x128xf32, #tpu.memory_space<vmem>>
          %dma_wait3A_151 = tpu.memref_squeeze %dma_wait3A_150 : memref<1x128x128xf32, #tpu.memory_space<vmem>> -> memref<128x128xf32, #tpu.memory_space<vmem>>
          tpu.wait_dma2 semaphore(%dma_wait3A_145 : memref<!tpu.dma_semaphore, #tpu.memory_space<semaphore_mem>>) src(%dma_wait3A_151 : memref<128x128xf32, #tpu.memory_space<vmem>>) dst(%dma_wait3A_147 : memref<128x128xf32, #tpu.memory_space<hbm>>)
          "tpu.trace_stop"() : () -> ()
        } else {
        }
      } else {
      }
      tpu.yield
    }) : () -> ()
    return
  }
}

module attributes {stable_mosaic.version = 14 : i64} {
  func.func @_pass_b_kernel(%arg0: i32, %arg1: memref<1024x128xbf16, #tpu.memory_space<vmem>>, %arg2: memref<128x2048xbf16, #tpu.memory_space<vmem>>, %arg3: memref<1x2048xf32, #tpu.memory_space<vmem>>, %arg4: memref<1024x1xf32, #tpu.memory_space<vmem>>, %arg5: memref<1024x2048xf32, #tpu.memory_space<vmem>>) attributes {dimension_semantics = [#tpu.dimension_semantics<arbitrary>], iteration_bounds = array<i64: 49>, scalar_prefetch = 0 : i64, scratch_operands = 0 : i64, tpu.core_type = #tpu.core_type<tc>, window_params = [{pipeline_mode = #tpu.pipeline_mode<synchronous>, transform_indices = @transform_0, window_bounds = array<i64: 1024, 128>}, {transform_indices = @transform_1, window_bounds = array<i64: 128, 2048>}, {transform_indices = @transform_2, window_bounds = array<i64: 1, 2048>}, {pipeline_mode = #tpu.pipeline_mode<synchronous>, transform_indices = @transform_3, window_bounds = array<i64: 1024, 1>}, {transform_indices = @transform_4, window_bounds = array<i64: 1024, 2048>}]} {
    %get3A = arith.constant 0 : index
    %get3A_0 = arith.constant 0 : index
    %get3A_1 = vector.load %arg1[%get3A, %get3A_0] : memref<1024x128xbf16, #tpu.memory_space<vmem>>, vector<1024x128xbf16>
    %get3A_2 = arith.constant 0 : index
    %get3A_3 = arith.constant 0 : index
    %get3A_4 = vector.load %arg2[%get3A_2, %get3A_3] : memref<128x2048xbf16, #tpu.memory_space<vmem>>, vector<128x2048xbf16>
    %dot_general3A = arith.constant dense<0.000000e+00> : vector<1024x2048xf32>
    %dot_general3A_5 = tpu.matmul %get3A_1, %get3A_4, %dot_general3A {dimension_numbers = #tpu.dot_dimension_numbers<[1], [0], [0], [1], [0, 0, 1, 1], [], []>, transpose_lhs_hint = false} : vector<1024x128xbf16>, vector<128x2048xbf16>, vector<1024x2048xf32> -> vector<1024x2048xf32>
    %get3A_6 = arith.constant 0 : index
    %get3A_7 = arith.constant 0 : index
    %get3A_8 = vector.load %arg3[%get3A_6, %get3A_7] : memref<1x2048xf32, #tpu.memory_space<vmem>>, vector<1x2048xf32>
    %add3A = vector.broadcast %get3A_8 : vector<1x2048xf32> to vector<1024x2048xf32>
    %add3A_9 = arith.addf %dot_general3A_5, %add3A : vector<1024x2048xf32>
    %get3A_10 = arith.constant 0 : index
    %get3A_11 = arith.constant 0 : index
    %get3A_12 = vector.load %arg4[%get3A_10, %get3A_11] : memref<1024x1xf32, #tpu.memory_space<vmem>>, vector<1024x1xf32>
    %sub3A = vector.broadcast %get3A_12 : vector<1024x1xf32> to vector<1024x2048xf32>
    %sub3A_13 = arith.subf %add3A_9, %sub3A : vector<1024x2048xf32>
    %swap3A = arith.constant 0 : index
    %swap3A_14 = arith.constant 0 : index
    %swap3A_15 = vector.load %arg5[%swap3A, %swap3A_14] : memref<1024x2048xf32, #tpu.memory_space<vmem>>, vector<1024x2048xf32>
    tpu.vector_store %arg5[%swap3A, %swap3A_14], %sub3A_13 {strides = array<i32>} : memref<1024x2048xf32, #tpu.memory_space<vmem>>, vector<1024x2048xf32>,
    return
  }
  func.func @transform_0(%arg0: i32) -> (i32, i32) {
    %c0_i32 = arith.constant 0 : i32
    %c0_i32_0 = arith.constant 0 : i32
    %c0_i32_1 = arith.constant 0 : i32
    return %c0_i32, %c0_i32_0 : i32, i32
  }
  func.func @transform_1(%arg0: i32) -> (i32, i32) {
    %c0_i32 = arith.constant 0 : i32
    %c0_i32_0 = arith.constant 0 : i32
    return %c0_i32, %arg0 : i32, i32
  }
  func.func @transform_2(%arg0: i32) -> (i32, i32) {
    %c0_i32 = arith.constant 0 : i32
    %c0_i32_0 = arith.constant 0 : i32
    return %c0_i32, %arg0 : i32, i32
  }
  func.func @transform_3(%arg0: i32) -> (i32, i32) {
    %c0_i32 = arith.constant 0 : i32
    %c0_i32_0 = arith.constant 0 : i32
    %c0_i32_1 = arith.constant 0 : i32
    return %c0_i32, %c0_i32_0 : i32, i32
  }
  func.func @transform_4(%arg0: i32) -> (i32, i32) {
    %c0_i32 = arith.constant 0 : i32
    %c0_i32_0 = arith.constant 0 : i32
    return %c0_i32, %arg0 : i32, i32
  }
}

module attributes {stable_mosaic.version = 14 : i64} {
  func.func @_pass_a_kernel(%arg0: i32, %arg1: memref<1024x384xf32, #tpu.memory_space<vmem>>, %arg2: memref<384x128xf32, #tpu.memory_space<vmem>>, %arg3: memref<1x128xf32, #tpu.memory_space<vmem>>, %arg4: memref<128x2048xbf16, #tpu.memory_space<vmem>>, %arg5: memref<1x2048xf32, #tpu.memory_space<vmem>>, %arg6: memref<1024x128xbf16, #tpu.memory_space<vmem>>, %arg7: memref<1024x1xf32, #tpu.memory_space<vmem>>, %arg8: memref<1024x128xbf16, #tpu.memory_space<vmem>>, %arg9: memref<1024x1xf32, #tpu.memory_space<vmem>>, %arg10: memref<1024x1xf32, #tpu.memory_space<vmem>>) attributes {dimension_semantics = [#tpu.dimension_semantics<arbitrary>], iteration_bounds = array<i64: 49>, scalar_prefetch = 0 : i64, scratch_operands = 3 : i64, tpu.core_type = #tpu.core_type<tc>, window_params = [{pipeline_mode = #tpu.pipeline_mode<synchronous>, transform_indices = @transform_0, window_bounds = array<i64: 1024, 384>}, {pipeline_mode = #tpu.pipeline_mode<synchronous>, transform_indices = @transform_1, window_bounds = array<i64: 384, 128>}, {pipeline_mode = #tpu.pipeline_mode<synchronous>, transform_indices = @transform_2, window_bounds = array<i64: 1, 128>}, {transform_indices = @transform_3, window_bounds = array<i64: 128, 2048>}, {transform_indices = @transform_4, window_bounds = array<i64: 1, 2048>}, {pipeline_mode = #tpu.pipeline_mode<synchronous>, transform_indices = @transform_5, window_bounds = array<i64: 1024, 128>}, {pipeline_mode = #tpu.pipeline_mode<synchronous>, transform_indices = @transform_6, window_bounds = array<i64: 1024, 1>}]} {
    %eq3A = arith.constant 0 : i32
    %eq3A_0 = arith.cmpi eq, %arg0, %eq3A : i32
    %convert_element_type3A = arith.extui %eq3A_0 : i1 to i32
    %cond3A = arith.constant 0 : i32
    %cond3A_1 = arith.cmpi ne, %convert_element_type3A, %cond3A : i32
    scf.if %cond3A_1 {
      %get3A_46 = arith.constant 0 : index
      %get3A_47 = arith.constant 0 : index
      %get3A_48 = vector.load %arg1[%get3A_46, %get3A_47] : memref<1024x384xf32, #tpu.memory_space<vmem>>, vector<1024x384xf32>
      %get3A_49 = arith.constant 0 : index
      %get3A_50 = arith.constant 0 : index
      %get3A_51 = vector.load %arg2[%get3A_49, %get3A_50] : memref<384x128xf32, #tpu.memory_space<vmem>>, vector<384x128xf32>
      %dot_general3A_52 = arith.constant dense<0.000000e+00> : vector<1024x128xf32>
      %dot_general3A_53 = tpu.matmul %get3A_48, %get3A_51, %dot_general3A_52 {dimension_numbers = #tpu.dot_dimension_numbers<[1], [0], [0], [1], [0, 0, 1, 1], [], []>, transpose_lhs_hint = false} : vector<1024x384xf32>, vector<384x128xf32>, vector<1024x128xf32> -> vector<1024x128xf32>
      %get3A_54 = arith.constant 0 : index
      %get3A_55 = arith.constant 0 : index
      %get3A_56 = vector.load %arg3[%get3A_54, %get3A_55] : memref<1x128xf32, #tpu.memory_space<vmem>>, vector<1x128xf32>
      %add3A_57 = vector.broadcast %get3A_56 : vector<1x128xf32> to vector<1024x128xf32>
      %add3A_58 = arith.addf %dot_general3A_53, %add3A_57 : vector<1024x128xf32>
      %tanh3A = math.tanh %add3A_58 : vector<1024x128xf32>
      %convert_element_type3A_59 = arith.truncf %tanh3A : vector<1024x128xf32> to vector<1024x128xbf16>
      %swap3A_60 = arith.constant 0 : index
      %swap3A_61 = arith.constant 0 : index
      %swap3A_62 = vector.load %arg8[%swap3A_60, %swap3A_61] : memref<1024x128xbf16, #tpu.memory_space<vmem>>, vector<1024x128xbf16>
      tpu.vector_store %arg8[%swap3A_60, %swap3A_61], %convert_element_type3A_59 {strides = array<i32>} : memref<1024x128xbf16, #tpu.memory_space<vmem>>, vector<1024x128xbf16>,
      %swap3A_63 = arith.constant 0 : index
      %swap3A_64 = arith.constant 0 : index
      %swap3A_65 = vector.load %arg6[%swap3A_63, %swap3A_64] : memref<1024x128xbf16, #tpu.memory_space<vmem>>, vector<1024x128xbf16>
      tpu.vector_store %arg6[%swap3A_63, %swap3A_64], %convert_element_type3A_59 {strides = array<i32>} : memref<1024x128xbf16, #tpu.memory_space<vmem>>, vector<1024x128xbf16>,
      %broadcast_in_dim3A_66 = arith.constant 0xFF800000 : f32
      %broadcast_in_dim3A_67 = vector.broadcast %broadcast_in_dim3A_66 : f32 to vector<1024x1xf32>
      %swap3A_68 = arith.constant 0 : index
      %swap3A_69 = arith.constant 0 : index
      %swap3A_70 = vector.load %arg9[%swap3A_68, %swap3A_69] : memref<1024x1xf32, #tpu.memory_space<vmem>>, vector<1024x1xf32>
      tpu.vector_store %arg9[%swap3A_68, %swap3A_69], %broadcast_in_dim3A_67 {strides = array<i32>} : memref<1024x1xf32, #tpu.memory_space<vmem>>, vector<1024x1xf32>,
      %broadcast_in_dim3A_71 = arith.constant 0.000000e+00 : f32
      %broadcast_in_dim3A_72 = vector.broadcast %broadcast_in_dim3A_71 : f32 to vector<1024x1xf32>
      %swap3A_73 = arith.constant 0 : index
      %swap3A_74 = arith.constant 0 : index
      %swap3A_75 = vector.load %arg10[%swap3A_73, %swap3A_74] : memref<1024x1xf32, #tpu.memory_space<vmem>>, vector<1024x1xf32>
      tpu.vector_store %arg10[%swap3A_73, %swap3A_74], %broadcast_in_dim3A_72 {strides = array<i32>} : memref<1024x1xf32, #tpu.memory_space<vmem>>, vector<1024x1xf32>,
    } else {
    }
    %get3A = arith.constant 0 : index
    %get3A_2 = arith.constant 0 : index
    %get3A_3 = vector.load %arg8[%get3A, %get3A_2] : memref<1024x128xbf16, #tpu.memory_space<vmem>>, vector<1024x128xbf16>
    %get3A_4 = arith.constant 0 : index
    %get3A_5 = arith.constant 0 : index
    %get3A_6 = vector.load %arg4[%get3A_4, %get3A_5] : memref<128x2048xbf16, #tpu.memory_space<vmem>>, vector<128x2048xbf16>
    %dot_general3A = arith.constant dense<0.000000e+00> : vector<1024x2048xf32>
    %dot_general3A_7 = tpu.matmul %get3A_3, %get3A_6, %dot_general3A {dimension_numbers = #tpu.dot_dimension_numbers<[1], [0], [0], [1], [0, 0, 1, 1], [], []>, transpose_lhs_hint = false} : vector<1024x128xbf16>, vector<128x2048xbf16>, vector<1024x2048xf32> -> vector<1024x2048xf32>
    %get3A_8 = arith.constant 0 : index
    %get3A_9 = arith.constant 0 : index
    %get3A_10 = vector.load %arg5[%get3A_8, %get3A_9] : memref<1x2048xf32, #tpu.memory_space<vmem>>, vector<1x2048xf32>
    %add3A = vector.broadcast %get3A_10 : vector<1x2048xf32> to vector<1024x2048xf32>
    %add3A_11 = arith.addf %dot_general3A_7, %add3A : vector<1024x2048xf32>
    %iota3A = tpu.iota {dimensions = array<i32: 1>} : vector<1x2048xi32>
    %add3A_12 = arith.constant 98304 : i32
    %add3A_13 = vector.broadcast %add3A_12 : i32 to vector<1x2048xi32>
    %add3A_14 = arith.addi %add3A_13, %iota3A : vector<1x2048xi32>
    %ge3A = arith.constant 100000 : i32
    %ge3A_15 = vector.broadcast %ge3A : i32 to vector<1x2048xi32>
    %ge3A_16 = arith.cmpi sge, %add3A_14, %ge3A_15 : vector<1x2048xi32>
    %eq3A_17 = arith.constant 48 : i32
    %eq3A_18 = arith.cmpi eq, %arg0, %eq3A_17 : i32
    %and3A = vector.broadcast %eq3A_18 : i1 to vector<1x2048xi1>
    %and3A_19 = arith.andi %and3A, %ge3A_16 : vector<1x2048xi1>
    %jit3A = arith.constant 0xFF800000 : f32
    %broadcast_in_dim3A = vector.shape_cast %and3A_19 : vector<1x2048xi1> to vector<1x2048xi1>
    %broadcast_in_dim3A_20 = vector.broadcast %broadcast_in_dim3A : vector<1x2048xi1> to vector<1024x2048xi1>
    %broadcast_in_dim3A_21 = vector.broadcast %jit3A : f32 to vector<1024x2048xf32>
    %select_n3A = arith.select %broadcast_in_dim3A_20, %broadcast_in_dim3A_21, %add3A_11 : vector<1024x2048xi1>, vector<1024x2048xf32>
    %get3A_22 = arith.constant 0 : index
    %get3A_23 = arith.constant 0 : index
    %get3A_24 = vector.load %arg9[%get3A_22, %get3A_23] : memref<1024x1xf32, #tpu.memory_space<vmem>>, vector<1024x1xf32>
    %reduce_max3A = arith.constant dense<0xFF800000> : vector<1024xf32>
    %reduce_max3A_25 = vector.multi_reduction <maximumf>, %select_n3A, %reduce_max3A [1] : vector<1024x2048xf32> to vector<1024xf32>
    %broadcast_in_dim3A_26 = vector.shape_cast %reduce_max3A_25 : vector<1024xf32> to vector<1024x1xf32>
    %max3A = arith.maximumf %get3A_24, %broadcast_in_dim3A_26 : vector<1024x1xf32>
    %sub3A = vector.broadcast %max3A : vector<1024x1xf32> to vector<1024x2048xf32>
    %sub3A_27 = arith.subf %select_n3A, %sub3A : vector<1024x2048xf32>
    %exp3A = math.exp %sub3A_27 : vector<1024x2048xf32>
    %reduce_sum3A = arith.constant dense<0.000000e+00> : vector<1024xf32>
    %reduce_sum3A_28 = vector.multi_reduction <add>, %exp3A, %reduce_sum3A [1] : vector<1024x2048xf32> to vector<1024xf32>
    %broadcast_in_dim3A_29 = vector.shape_cast %reduce_sum3A_28 : vector<1024xf32> to vector<1024x1xf32>
    %get3A_30 = arith.constant 0 : index
    %get3A_31 = arith.constant 0 : index
    %get3A_32 = vector.load %arg10[%get3A_30, %get3A_31] : memref<1024x1xf32, #tpu.memory_space<vmem>>, vector<1024x1xf32>
    %sub3A_33 = arith.subf %get3A_24, %max3A : vector<1024x1xf32>
    %exp3A_34 = math.exp %sub3A_33 : vector<1024x1xf32>
    %mul3A = arith.mulf %get3A_32, %exp3A_34 : vector<1024x1xf32>
    %add3A_35 = arith.addf %mul3A, %broadcast_in_dim3A_29 : vector<1024x1xf32>
    %swap3A = arith.constant 0 : index
    %swap3A_36 = arith.constant 0 : index
    %swap3A_37 = vector.load %arg10[%swap3A, %swap3A_36] : memref<1024x1xf32, #tpu.memory_space<vmem>>, vector<1024x1xf32>
    tpu.vector_store %arg10[%swap3A, %swap3A_36], %add3A_35 {strides = array<i32>} : memref<1024x1xf32, #tpu.memory_space<vmem>>, vector<1024x1xf32>,
    %swap3A_38 = arith.constant 0 : index
    %swap3A_39 = arith.constant 0 : index
    %swap3A_40 = vector.load %arg9[%swap3A_38, %swap3A_39] : memref<1024x1xf32, #tpu.memory_space<vmem>>, vector<1024x1xf32>
    tpu.vector_store %arg9[%swap3A_38, %swap3A_39], %max3A {strides = array<i32>} : memref<1024x1xf32, #tpu.memory_space<vmem>>, vector<1024x1xf32>,
    %eq3A_41 = arith.constant 48 : i32
    %eq3A_42 = arith.cmpi eq, %arg0, %eq3A_41 : i32
    %convert_element_type3A_43 = arith.extui %eq3A_42 : i1 to i32
    %cond3A_44 = arith.constant 0 : i32
    %cond3A_45 = arith.cmpi ne, %convert_element_type3A_43, %cond3A_44 : i32
    scf.if %cond3A_45 {
      %get3A_46 = arith.constant 0 : index
      %get3A_47 = arith.constant 0 : index
      %get3A_48 = vector.load %arg9[%get3A_46, %get3A_47] : memref<1024x1xf32, #tpu.memory_space<vmem>>, vector<1024x1xf32>
      %get3A_49 = arith.constant 0 : index
      %get3A_50 = arith.constant 0 : index
      %get3A_51 = vector.load %arg10[%get3A_49, %get3A_50] : memref<1024x1xf32, #tpu.memory_space<vmem>>, vector<1024x1xf32>
      %log3A = math.log %get3A_51 : vector<1024x1xf32>
      %add3A_52 = arith.addf %get3A_48, %log3A : vector<1024x1xf32>
      %swap3A_53 = arith.constant 0 : index
      %swap3A_54 = arith.constant 0 : index
      %swap3A_55 = vector.load %arg7[%swap3A_53, %swap3A_54] : memref<1024x1xf32, #tpu.memory_space<vmem>>, vector<1024x1xf32>
      tpu.vector_store %arg7[%swap3A_53, %swap3A_54], %add3A_52 {strides = array<i32>} : memref<1024x1xf32, #tpu.memory_space<vmem>>, vector<1024x1xf32>,
    } else {
    }
    return
  }
  func.func @transform_0(%arg0: i32) -> (i32, i32) {
    %c0_i32 = arith.constant 0 : i32
    %c0_i32_0 = arith.constant 0 : i32
    %c0_i32_1 = arith.constant 0 : i32
    return %c0_i32, %c0_i32_0 : i32, i32
  }
  func.func @transform_1(%arg0: i32) -> (i32, i32) {
    %c0_i32 = arith.constant 0 : i32
    %c0_i32_0 = arith.constant 0 : i32
    %c0_i32_1 = arith.constant 0 : i32
    return %c0_i32, %c0_i32_0 : i32, i32
  }
  func.func @transform_2(%arg0: i32) -> (i32, i32) {
    %c0_i32 = arith.constant 0 : i32
    %c0_i32_0 = arith.constant 0 : i32
    %c0_i32_1 = arith.constant 0 : i32
    return %c0_i32, %c0_i32_0 : i32, i32
  }
  func.func @transform_3(%arg0: i32) -> (i32, i32) {
    %c0_i32 = arith.constant 0 : i32
    %c0_i32_0 = arith.constant 0 : i32
    return %c0_i32, %arg0 : i32, i32
  }
  func.func @transform_4(%arg0: i32) -> (i32, i32) {
    %c0_i32 = arith.constant 0 : i32
    %c0_i32_0 = arith.constant 0 : i32
    return %c0_i32, %arg0 : i32, i32
  }
  func.func @transform_5(%arg0: i32) -> (i32, i32) {
    %c0_i32 = arith.constant 0 : i32
    %c0_i32_0 = arith.constant 0 : i32
    %c0_i32_1 = arith.constant 0 : i32
    return %c0_i32, %c0_i32_0 : i32, i32
  }
  func.func @transform_6(%arg0: i32) -> (i32, i32) {
    %c0_i32 = arith.constant 0 : i32
    %c0_i32_0 = arith.constant 0 : i32
    %c0_i32_1 = arith.constant 0 : i32
    return %c0_i32, %c0_i32_0 : i32, i32
  }
}

</mosaic_0001>

<sc_bundles>
// kernel: kernel.5.cloned.1.call-start
scs
__scs_entry_jumppad:
0x0: {  	(pc) =	sbr.rel $0x88, $3  }
0x1: {  	(tag) =	ssettag $0x0;
	lr =	simm.s32 $0x1  }
0x2: {  	[smem:$0x3F9B] =	sst lr;
	_ =	strace $0xD0000000  }
0x3: {  	_ = 	snop  }
0x4: {  	_ = 	snop  }
0x5: {  	_ = 	snop  }
0x6: {  	_ = 	snop  }
0x7: {  	_ = 	snop  }
__scs_overlays_trampoline_lowered:
0x8: {  	[smem:$0x3FAA] =	sst s0  }
0x9: {  	[smem:$0x3FAB] =	sst s1  }
0xa: {  	[smem:$0x3FAC] =	sst s2  }
0xb: {  	[smem:$0x3FAD] =	sst s3  }
0xc: {  	[smem:$0x3FAE] =	sst s4  }
0xd: {  	[smem:$0x3FAF] =	sst s5  }
0xe: {  	[smem:$0x3FB0] =	sst s6  }
0xf: {  	[smem:$0x3FB1] =	sst s7  }
0x10: {  	[smem:$0x3FB2] =	sst s8  }
0x11: {  	[smem:$0x3FB3] =	sst s9;
	s0 =	simm.s32 @!p0 $0x0  }
0x12: {  	s1 =	sld [smem:$0x3F99];
	s0 =	simm.s32 @p0 $0x1  }
0x13: {  	[smem:$0x3FB4] =	sst s0;
	s0 =	simm.s32 @!p1 $0x0  }
0x14: {  	s2 =	sld [smem:$0x3F98];
	s0 =	simm.s32 @p1 $0x1  }
0x15: {  	[smem:$0x3FB5] =	sst s0;
	s0 =	simm.s32 @!p2 $0x0  }
0x16: {  	s3 =	sld [smem:$0x3FDB];
	s0 =	simm.s32 @p2 $0x1  }
0x17: {  	s4 =	simm.s32 $0x1BF5;
	[smem:$0x3FB7] =	sst s0  }
0x18: {  	s0 =	sld [smem:$0x3F9A];
	_ =	swait.ge [sflag:s4], $0x0  }
0x19: {  	s7 =	sld [smem:$0x3F9B]  }
0x1a: {  	s8 =	sadd.s32 $0xFFFFE003, lr  }
0x1b: {  	s9 =	sadd.s32 $0xFFFFFEF7, lr;
	s5 =	simm.s32 $0xFFFFFFFF;
	p2 =	slt.u32 s8, $0xFFFFF086  }
0x1c: {  	p1 =	slt.u32 s9, $0xF7A;
	s5 =	simm.s32 @!p2 $0x0  }
0x1d: {  	s5 =	simm.s32 @p1 $0x1;
	p0 =	seq.s32 s7, s2  }
0x1e: {  	s7 =	smul.u32 @!p0 $0xF7A, s2;
	p2 =	seq.s32 @!p0 s5, $0x0  }
0x1f: {  	s9 =	smul.u32 $0xF7A, s1;
	s8 =	simm.s32 @!p0 $0x1BF5;
	p2 =	por !p2, p0  }
0x20: {  	[sflag:s8] =	ssyncset.s32 @!p0 $0xFFFFF086;
	s6 =	sadd.s32 @!p0 s3, s7;
	s7 =	simm.s32 @!p0 $0x108  }
0x21: {  	s3 =	sadd.s32 s3, s9;
	s6 =	sadd.s32 @!p0 $0x88, s6;
	s7 =	simm.s32 @p2 $0x1082  }
0x22: {  	[simem:s7], [sflag:s8] =	dma.local @!p0 [hbm:s6], $0xF7A  }
0x23: {  	s9 =	sor.u32 $0xD0000000, s2;
	s6 =	simm.s32 $0x108;
	_ =	swait.ge @!p0 [sflag:s8], $0x0  }
0x24: {  	s3 =	sadd.s32 $0x88, s3;
	s6 =	simm.s32 @!p1 $0x1082;
	[sflag:s4] =	ssyncset.s32 $0xFFFFF086  }
0x25: {  	[simem:s6], [sflag:s4] =	dma.local [hbm:s3], $0xF7A  }
0x26: {  	[smem:$0x3F9B] =	sst s1;
	(tag) =	ssettag s2;
	_ =	strace s9  }
0x27: {  	s1 =	sld [smem:$0x3FAB]  }
0x28: {  	s2 =	sld [smem:$0x3FAC]  }
0x29: {  	s4 =	sld [smem:$0x3FAE]  }
0x2a: {  	p0 =	seq.s32 s5, $0x0;
	s5 =	sld [smem:$0x3FAF]  }
0x2b: {  	s6 =	sld [smem:$0x3FB0]  }
0x2c: {  	s7 =	sld [smem:$0x3FB1]  }
0x2d: {  	s3 =	simm.s32 $0x108;
	s8 =	sld [smem:$0x3FB2]  }
0x2e: {  	s3 =	simm.s32 @!p0 $0x1082;
	s9 =	sld [smem:$0x3FB3]  }
0x2f: {  	lr =	sadd.s32 s0, s3;
	s0 =	sld [smem:$0x3FAA]  }
0x30: {  	s3 =	sld [smem:$0x3FAD]  }
0x31: {  	[smem:$0x3FB6] =	sst s10  }
0x32: {  	s10 =	sld [smem:$0x3FB4];
	_ =	sdelay $0x3  }
0x33: {  	p0 =	seq.s32 s10, $0x1;
	s10 =	sld [smem:$0x3FB6];
	_ =	sdelay $0x3  }
0x34: {  	[smem:$0x3FB6] =	sst s10  }
0x35: {  	s10 =	sld [smem:$0x3FB5];
	_ =	sdelay $0x3  }
0x36: {  	p1 =	seq.s32 s10, $0x1;
	s10 =	sld [smem:$0x3FB6];
	_ =	sdelay $0x3  }
0x37: {  	[smem:$0x3FB6] =	sst s10  }
0x38: {  	s10 =	sld [smem:$0x3FB7]  }
0x39: {  	_ = 	snop;
	(pc) =	sbr.ind lr, $3  }
0x3a: {  	_ = 	snop  }
0x3b: {  	_ = 	snop  }
0x3c: {  	p2 =	seq.s32 s10, $0x1;
	s10 =	sld [smem:$0x3FB6]  }
0x3d: {  	_ =	shalt  }
0x3e: {  	_ =	shalt  }
0x3f: {  	_ =	shalt  }
0x40: {  	_ =	shalt  }
0x41: {  	_ =	shalt  }
0x42: {  	_ =	shalt  }
0x43: {  	_ =	shalt  }
0x44: {  	_ =	shalt  }
0x45: {  	_ =	shalt  }
0x46: {  	_ =	shalt  }
0x47: {  	_ =	shalt  }
0x48: {  	_ =	shalt  }
0x49: {  	_ =	shalt  }
0x4a: {  	_ =	shalt  }
0x4b: {  	_ =	shalt  }
0x4c: {  	_ =	shalt  }
0x4d: {  	_ =	shalt  }
0x4e: {  	_ =	shalt  }
0x4f: {  	_ =	shalt  }
0x50: {  	_ =	shalt  }
0x51: {  	_ =	shalt  }
0x52: {  	_ =	shalt  }
0x53: {  	_ =	shalt  }
0x54: {  	_ =	shalt  }
0x55: {  	_ =	shalt  }
0x56: {  	_ =	shalt  }
0x57: {  	_ =	shalt  }
0x58: {  	_ =	shalt  }
0x59: {  	_ =	shalt  }
0x5a: {  	_ =	shalt  }
0x5b: {  	_ =	shalt  }
0x5c: {  	_ =	shalt  }
0x5d: {  	_ =	shalt  }
0x5e: {  	_ =	shalt  }
0x5f: {  	_ =	shalt  }
0x60: {  	_ =	shalt  }
0x61: {  	_ =	shalt  }
0x62: {  	_ =	shalt  }
0x63: {  	_ =	shalt  }
0x64: {  	_ =	shalt  }
0x65: {  	_ =	shalt  }
0x66: {  	_ =	shalt  }
0x67: {  	_ =	shalt  }
0x68: {  	_ =	shalt  }
0x69: {  	_ =	shalt  }
0x6a: {  	_ =	shalt  }
0x6b: {  	_ =	shalt  }
0x6c: {  	_ =	shalt  }
0x6d: {  	_ =	shalt  }
0x6e: {  	_ =	shalt  }
0x6f: {  	_ =	shalt  }
0x70: {  	_ =	shalt  }
0x71: {  	_ =	shalt  }
0x72: {  	_ =	shalt  }
0x73: {  	_ =	shalt  }
0x74: {  	_ =	shalt  }
0x75: {  	_ =	shalt  }
0x76: {  	_ =	shalt  }
0x77: {  	_ =	shalt  }
0x78: {  	_ =	shalt  }
0x79: {  	_ =	shalt  }
0x7a: {  	_ =	shalt  }
0x7b: {  	_ =	shalt  }
0x7c: {  	_ =	shalt  }
0x7d: {  	_ =	shalt  }
0x7e: {  	_ =	shalt  }
0x7f: {  	_ =	shalt  }
0x80: {  	_ =	shalt  }
0x81: {  	_ =	shalt  }
0x82: {  	_ =	shalt  }
0x83: {  	_ =	shalt  }
0x84: {  	_ =	shalt  }
0x85: {  	_ =	shalt  }
0x86: {  	_ =	shalt  }
0x87: {  	_ =	shalt  }
.Lfunc_end0:
.L_simem_size_0:
called_computation_lowered:
.L_overlay_start_0:
0x88: {  	s2 =	sld [smem:$0x3FD9]  }
0x89: {  	s3 =	sld [smem:$0x3FFE];
	_ =	sdelay $0x1  }
0x8a: {  	s1 =	srdreg.scid  }
0x8b: {  	s0 =	sand.u32 $0x1, s1  }
0x8c: {  	s16 =	sshll.u32 s0, $0xA;
	s2 =	sadd.s32 s3, s2  }
0x8d: {  	s2 =	sadd.s32 s2, s16  }
0x8e: {  	[smem:$0x3FC2] =	sst s2  }
0x8f: {  	_ = 	snop  }
0x90: {  	(tm) =	ssettm $0x1  }
0x91: {  	s17 =	sld [smem:$0x3FFB];
	_ =	sdelay $0x3  }
0x92: {  	_ =	strace s17  }
0x93: {  	s2 =	sld [smem:$0x3FFC];
	_ =	sdelay $0x3  }
0x94: {  	_ =	strace s2  }
0x95: {  	s2 =	sld [smem:$0x3FFD];
	_ =	sdelay $0x3  }
0x96: {  	_ =	strace s2  }
0x97: {  	_ =	strace $0x8FFFFFFF  }
0x98: {  	s18 =	sld [smem:$0x3FDB];
	_ =	sdelay $0x1  }
0x99: {  	s19 =	simm.s32 $_scs_section_size  }
0x9a: {  	s4 =	simm.s32 $_size__tile_overlayer_lowered;
	s5 =	simm.s32 $_tile_overlayer_lowered  }
0x9b: {  	s22 =	simm.s32 $0x1BFF;
	s21 =	sshll.u32 s5, $0x1;
	s2 =	sadd.s32 s19, s18  }
0x9c: {  	s6 =	simm.s32 $0x0;
	s20 =	sshll.u32 s4, $0x1;
	s4 =	sadd.s32 s21, s2  }
0x9d: {  	[timem:s6], [sflag:s22] =	dma.local [hbm:s4], s20  }
0x9e: {  	_ =	swait.ge [sflag:s22], s20  }
0x9f: {  	s3 =	ssub.s32 $0x0, s20;
	[sflag:s22] =	ssyncset.done $0x0  }
0xa0: {  	[sflag:s22] =	ssyncadd.s32 s3;
	_ =	sdelay $0x1  }
0xa1: {  	s23 =	simm.s32 $0x1B8B  }
0xa2: {  	_ =	swait.ge [sflag:s23], $0x1  }
0xa3: {  	[sflag:s23] =	ssyncset.done $0x0  }
0xa4: {  	s25 =	simm.s32 $0x1B8E;
	s24 =	sld [smem:$0x3FFE];
	[sflag:s23] =	ssyncadd.s32 $0xFFFFFFFF  }
0xa5: {  	s26 =	simm.s32 $execute0_lowered;
	[smem:$0x3FD2] =	sst s25  }
0xa6: {  	s4 =	sshll.u32 s26, $0x1;
	_ =	strace $0x80000046;
	[dreg:$0x1] =	wrdreg $0xFFFFFFFF  }
0xa7: {  	s28 =	simm.s32 $_size_execute0_lowered;
	s2 =	sadd.s32 s2, s4;
	[dreg:$0x0] =	wrdreg $0x0  }
0xa8: {  	s4 =	sshll.u32 s28, $0x1;
	[dreg:$0x2] =	wrdreg s2  }
0xa9: {  	[dreg:$0x3] =	wrdreg s4  }
0xaa: {  	[dreg:$0x4] =	wrdreg $0xC0  }
0xab: {  	_ =	task [dreg:s6], $0x5FFFF  }
0xac: {  	[dreg:$0x1] =	wrdreg $0xFFFFFFFF  }
0xad: {  	[dreg:$0x0] =	wrdreg $0x60  }
0xae: {  	[dreg:$0x2] =	wrdreg s24  }
0xaf: {  	[dreg:$0x3] =	wrdreg $0x9  }
0xb0: {  	_ =	task.clear_ibuf [dreg:s6], $0x4FFFF;
	_ =	strace $0x90000046  }
0xb1: {  	s29 =	simm.s32 $0x9;
	_ =	strace $0x8000004F  }
0xb2: {  	_ =	swait.ge [sflag:s29], $0x1  }
0xb3: {  	[sflag:s29] =	ssyncadd.s32 $0xFFFFFFFF  }
0xb4: {  	_ =	strace $0x9000004F  }
0xb5: {  	_ =	sfence  }
0xb6: {  	s30 =	sld [smem:$0x0];
	_ =	sdelay $0x2  }
0xb7: {  	s31 =	sshll.u32 s1, $0xD;
	s1 =	sshrl.u32 s1, $0x2  }
0xb8: {  	s3 =	sand.u32 $0x4000, s31;
	s1 =	sadd.s32 s1, s30  }
0xb9: {  	s0 =	sor.u32 s3, s0;
	s1 =	sshll.u32 s1, $0x11  }
0xba: {  	s0 =	sor.u32 s1, s0  }
0xbb: {  	s0 =	sadd.s32 $0x8F2B, s0  }
0xbc: {  	[sflag:s0] =	ssyncadd.remote.s32 $0x1  }
0xbd: {  	_ =	sfence.sel $0xFFFF  }
0xbe: {  	[dreg:$0x0] =	wrdreg $0xFFFFFFFF;
	(pc) =	sbr.abs _section_cstart, $3  }
0xbf: {  	[dreg:$0x1] =	wrdreg $0xFFFFFFFF  }
0xc0: {  	_ =	task.clear_ibuf [dreg:s6], $0x2FFFF;
	_ =	strace $0x9FFFFFFF  }
0xc1: {  	(tm) =	ssettm $0x7FFFFFFF  }
tec
execute0_lowered:
.L_overlay_start_1:
0x0: {  	(tag) =	ssettag $0x1  }
0x1: {  	s2 =	rddreg [dreg:$0x0]  }
0x2: {  	s0 =	rddreg [dreg:$0x1];
	s1 =	simm.s32 $0x0  }
0x3: {  	s5 =	srdreg.scid;
	s7 =	simm.s32 $0x2;
	s11 =	simm.s32 $0x80  }
0x4: {  	s12 =	simm.s32 $0x5;
	s13 =	simm.s32 $0x0;
	[smem:$0x7FF] =	sst s1  }
0x5: {  	s3 =	sadd.s32 $0xE00, s2;
	s4 =	sadd.s32 $0xC00, s2;
	s6 =	sand.u32 $0x1, s5  }
0x6: {  	s5 =	sadd.s32 $0x187800, s2;
	s2 =	stileid.u32;
	s8 =	ssub.s32 $0x2, s6  }
0x7: {  	p0 =	slt.u32 s2, $0x8;
	s9 =	sshll.u32 s2, $0x1;
	s6 =	sadd.s32 $0x8, s2  }
0x8: {  	_ =	strace $0x80000047;
	s10 =	sshrl.u32 s8, $0x1;
	s6 =	smov.u32 @p0 s9  }
0x9: {  	s7 =	simm.s32 @!p0 $0x1;
	s10 =	ssub.s32 s8, s10;
	s31 =	sshll.u32 s6, $0x4  }
0xa: {  	s9 =	sadd.s32 $0xFFFFFFFF, s7;
	s8 =	sadd.s32 s4, s31;
	s10 =	smax.u32 s10, $0x1  }
.LBB2_1:
0xb: {  	_ =	strace $0x80000048;
	s20 =	simm.s32 $0x0  }
0xc: {  	s14 =	simm.s32 $0x0;
	s15 =	simm.s32 $0x0;
	s16 =	simm.s32 $0x0  }
0xd: {  	[tilespmem:s1], [sflag:$0x1] =	stream.linear.gather [hbm4b:s8+s1], $0x80, $0x200038;
	[tilespmem:$0x8100] =	vst v63  }
0xe: {  	s17 =	simm.s32 $0x1;
	s18 =	simm.s32 $0x0;
	_ =	strace $0x90000048  }
.LBB2_2:
0xf: {  	s19 =	sadd.s32 $0x1, s20  }
0x10: {  	p0 =	seq.s32 s19, s7  }
0x11: {  	s19 =	simm.s32 @p0 $0x0  }
0x12: {  	p3 =	slt.s32 s18, s9;
	p1 =	sne.s32 s20, s19  }
0x13: {  	p0 =	por !p3, !p1  }
0x14: {  	p0 =	por !p0, !p0  }
0x15: {  	s21 =	sadd.s32 @p0 s6, s19  }
0x16: {  	s22 =	sand.u32 @p0 $0x1, s17;
	s21 =	sshll.u32 @p0 s21, $0x4  }
0x17: {  	_ =	strace @p0 $0x80000049;
	s24 =	simm.s32 @p0 $0x0;
	s21 =	sand.u32 @p0 $0x1FFFFFF0, s21  }
0x18: {  	s23 =	sshll.u32 @p0 s22, $0x7;
	s22 =	sadd.s32 @p0 $0x1, s22;
	s21 =	sadd.s32 @p0 s4, s21  }
0x19: {  	[tilespmem:s23], [sflag:s22] =	stream.linear.gather @p0 [hbm4b:s21+s24], $0x80, $0x200038;
	[tilespmem:$0x8100] =	vst v63  }
0x1a: {  	p2 =	seq.s32 s18, $0x0;
	s21 =	sor.u32 s9, s20  }
0x1b: {  	p3 =	seq.s32 @!p2 s21, $0x0  }
0x1c: {  	p2 =	por p2, !p3  }
0x1d: {  	_ =	strace @p0 $0x90000049;
	s22 =	sand.u32 @p2 $0x1, s16  }
0x1e: {  	_ =	strace @p2 $0x8000004A;
	s22 =	sadd.s32 @p2 $0x1, s22  }
0x1f: {  	s31 =	sshll.u32 s16, $0x7;
	_ =	swait.ge @p2 [sflag:s22], $0x80  }
0x20: {  	p4 =	seq.s32 s9, s18;
	p6 =	sne.s32 s18, $0x0;
	[sflag:s22] =	ssyncset.done @p2 $0x0  }
0x21: {  	p1 =	por p4, p1;
	[sflag:s22] =	ssyncadd.s32 @p2 $0xFFFFFF80;
	s22 =	sand.u32 $0x1, s15  }
0x22: {  	s24 =	sand.u32 $0x80, s31;
	_ =	strace @p2 $0x9000004A;
	s30 =	sshll.u32 s22, $0xE  }
0x23: {  	s20 =	sadd.s32 s6, s20;
	_ =	strace $0x8000004B;
	s23 =	sor.u32 $0x100, s30  }
0x24: {  	[tilespmem:s23], [sflag:$0x5] =	stream.indirect.gather [hbm4b:s3+s11], $0x80, s24, s11, $0x2000b8;
	[tilespmem:$0x8100] =	vst v63  }
0x25: {  	p5 =	sne.s32 s21, $0x0;
	s20 =	sshll.u32 @p1 s20, $0xB;
	_ =	swait.ge [sflag:s12], $0x4000  }
0x26: {  	s21 =	simm.s32 $0x1;
	s20 =	sand.u32 @p1 $0x1FFFF800, s20;
	[sflag:s12] =	ssyncset.done $0x0  }
0x27: {  	s21 =	simm.s32 @!p0 $0x0;
	s20 =	sadd.s32 @p1 s5, s20;
	[sflag:s12] =	ssyncadd.s32 $0xFFFFC000  }
0x28: {  	p2 =	por !p6, !p5;
	s22 =	sadd.s32 @p1 $0x3, s22;
	_ =	strace $0x9000004B  }
0x29: {  	p0 =	por !p2, !p2;
	s24 =	simm.s32 @p1 $0x0;
	_ =	strace @p1 $0x8000004C  }
0x2a: {  	[hbm4b:s20+s24] =	stream.linear.scatter @p1 [tilespmem:s23], [sflag:s22], $0x4000, $0x200038;
	[tilespmem:$0x8100] =	vst v63  }
0x2b: {  	s18 =	sadd.s32 $0x1, s18;
	s20 =	simm.s32 $0x1;
	s22 =	sand.u32 @p0 $0x1, s14  }
0x2c: {  	_ =	strace @p1 $0x9000004C;
	s20 =	simm.s32 @!p1 $0x0;
	p1 =	sne.s32 s7, s18  }
.Ltmp0:
0x2d: {  	s22 =	sadd.s32 @p0 $0x3, s22;
	_ =	strace @p0 $0x8000004D;
	(pc) =	sbr.rel @p1 .LBB2_2-.Ltmp0, $4  }
0x2e: {  	s17 =	sadd.s32 s21, s17;
	s21 =	simm.s32 $0x1;
	_ =	swait.ge @p0 [sflag:s22], $0x4000  }
0x2f: {  	s21 =	simm.s32 @!p0 $0x0;
	[sflag:s22] =	ssyncset.done @p0 $0x0  }
0x30: {  	s14 =	sadd.s32 s21, s14;
	s15 =	sadd.s32 s20, s15;
	[sflag:s22] =	ssyncadd.s32 @p0 $0xFFFFC000  }
0x31: {  	s16 =	sadd.s32 s20, s16;
	s20 =	smov.u32 s19;
	_ =	strace @p0 $0x9000004D  }
0x32: {  	s13 =	sadd.s32 $0x1, s13  }
0x33: {  	s14 =	sand.u32 $0x1, s14;
	p0 =	sne.s32 s13, s10  }
.Ltmp1:
0x34: {  	_ =	strace $0x8000004E;
	s14 =	sadd.s32 $0x3, s14;
	(pc) =	sbr.rel @p0 .LBB2_1-.Ltmp1, $4  }
0x35: {  	_ =	swait.ge [sflag:s14], $0x4000  }
0x36: {  	[sflag:s14] =	ssyncset.done $0x0  }
0x37: {  	[sflag:s14] =	ssyncadd.s32 $0xFFFFC000  }
0x38: {  	_ =	strace $0x9000004E  }
0x39: {  	_ =	sfence.sel $0x180000  }
0x3a: {  	[bflag:$0x0] =	sbarrier.arrive $0xFFFF  }
0x3b: {  	p0 =	sne.s32 s2, $0x0;
	_ =	strace $0x90000047  }
0x3c: {  	s0 =	sadd.s32 @!p0 $0x100000, s0;
	[bflag:$0x2] =	sbarrier.arrive $0xFFFF  }
0x3d: {  	[sflag:s0] =	ssyncadd.tile.s32 @!p0 $0x1;
	_ =	shalt  }
.Lfunc_end2:
_tile_overlayer_lowered:
.L_overlay_start_2:
0x3e: {  	(tag) =	ssettag $0x2  }
0x3f: {  	s0 =	rddreg [dreg:$0x0];
	s2 =	stileid.u32  }
0x40: {  	s1 =	rddreg [dreg:$0x1];
	p0 =	sne.s32 s2, $0x0  }
0x41: {  	s3 =	rddreg [dreg:$0x2];
	[bflag:$0x3] =	sbarrier.arrive $0xFFFF;
	s2 =	simm.s32 @!p0 $0x1C01  }
0x42: {  	[timem:s3], [sflag:s2] =	dma.local @!p0 [hbm:s0], s1  }
0x43: {  	s0 =	simm.s32 @!p0 $0x1  }
0x44: {  	_ =	swait.ge @!p0 [sflag:s0], s1  }
0x45: {  	s1 =	ssub.s32 @!p0 $0x0, s1;
	[sflag:s0] =	ssyncset.done @!p0 $0x0  }
0x46: {  	[sflag:s0] =	ssyncadd.s32 @!p0 s1  }
0x47: {  	[bflag:$0x3] =	sbarrier.arrive $0xFFFF  }
0x48: {  	_ =	shalt  }

</sc_bundles>
